<compile_context>
chip_gen: v7x
topology: tpu7x:2x2x1
jax: 0.10.2.dev20260603
libtpu: 0.0.44.dev20260713+nightly
codegen_flags: <defaults>
</compile_context>

<pallas_src>
import functools

import jax
import jax.numpy as jnp
from jax import lax
from jax.experimental import pallas as pl
from jax.experimental.pallas import tpu as pltpu
from jax.experimental.pallas import tpu_sc as plsc

_NC = 2
_NS = 16
_NW = _NC * _NS
_CH = 128
_NBUF = 10
_AHEAD = 5


@functools.lru_cache(maxsize=None)
def _make_gather(n_chunk: int, d: int):
    b_total = _NW * n_chunk * _CH
    mesh = plsc.VectorSubcoreMesh(core_axis_name="c", subcore_axis_name="s")

    @functools.partial(
        pl.kernel,
        out_type=jax.ShapeDtypeStruct((b_total, d), jnp.float32),
        mesh=mesh,
        scratch_types=[
            pltpu.VMEM((n_chunk, _CH), jnp.int32),
            pltpu.VMEM((_NBUF, _CH, d), jnp.float32),
            pltpu.SemaphoreType.DMA((_NBUF,)),
            pltpu.SemaphoreType.DMA((_NBUF,)),
        ],
        compiler_params=pltpu.CompilerParams(use_tc_tiling_on_sc=False),
    )
    def gather_k(idx_hbm, table_hbm, out_hbm, idx_v, rows_v, gsem, wsem):
        wid = lax.axis_index("s") * _NC + lax.axis_index("c")
        base = wid * (n_chunk * _CH)

        pltpu.sync_copy(idx_hbm.at[wid], idx_v)

        def start_gather(ch, b):
            pltpu.async_copy(table_hbm.at[idx_v.at[ch]], rows_v.at[b],
                             gsem.at[b])

        def wait_gather(b):
            pltpu.make_async_copy(table_hbm.at[idx_v.at[0]], rows_v.at[b],
                                  gsem.at[b]).wait()

        def start_write(ch, b):
            pltpu.async_copy(rows_v.at[b],
                             out_hbm.at[pl.ds(base + ch * _CH, _CH)],
                             wsem.at[b])

        def wait_write(b):
            pltpu.make_async_copy(rows_v.at[b], out_hbm.at[pl.ds(0, _CH)],
                                  wsem.at[b]).wait()

        for b in range(_AHEAD):
            start_gather(b, b)

        def outer(o, carry):
            ch0 = o * _NBUF
            for b in range(_NBUF):
                ch = ch0 + b
                wait_gather(b)
                start_write(ch, b)
                nxt = ch + _AHEAD
                nb = (b + _AHEAD) % _NBUF

                @pl.when(nxt < n_chunk)
                def _():
                    @pl.when(nxt >= _NBUF)
                    def _():
                        wait_write(nb)
                    start_gather(nxt, nb)
            return carry

        lax.fori_loop(0, n_chunk // _NBUF, outer, 0)

        for b in range(_NBUF):
            wait_write(b)

    return gather_k


@jax.jit
def kernel(x, table):
    batch, hist = x.shape
    d = table.shape[1]
    b_total = batch * hist
    n_chunk = b_total // (_NW * _CH)
    assert n_chunk * _NW * _CH == b_total and n_chunk % _NBUF == 0
    xr = x.reshape(_NW, n_chunk, _CH)
    out = _make_gather(n_chunk, d)(xr, table)
    return out.reshape(batch, hist, d)

# --- scband reference (transcript-rebuilt; emitter-appended) ---
"""Pipeline reference for scband-item-based-embedding-20968030339313 (READ-ONLY COPY).

The authoritative reference and input builder live on the scoring server;
editing this copy changes nothing except your own understanding.
"""

import jax, jax.numpy as jnp
import numpy as np

NUM_ITEMS = 1000000
D_MODEL = 64
BATCH = 16384
HIST = 50


def setup_inputs(seed: int = 0) -> dict:
    key = jax.random.key(seed)
    k_idx, k_tab = jax.random.split(key)
    x = jax.random.randint(k_idx, (BATCH, HIST), 0, NUM_ITEMS + 1, dtype=jnp.int32)
    table = jax.random.normal(k_tab, (NUM_ITEMS + 1, D_MODEL), dtype=jnp.float32)
    # padding_idx=0 row is zero-initialized in nn.Embedding semantics
    table = table.at[0].set(0.0)
    return {"x": x, "table": table}


def reference(x, table):
    # nn.Embedding forward: row gather from the embedding table
    return jnp.take(table, x, axis=0)

if __name__ == "__main__":
    import jax
    _d = setup_inputs()
    print(jax.jit(kernel)(*tuple(_d.values())))

</pallas_src>

<mosaic_0001>
#map = affine_map<(d0, d1) -> (0, 0, 0)>
#map1 = affine_map<(d0, d1) -> (0, 0)>
module attributes {stable_mosaic.version = 14 : i64} {
  func.func @gather_k(%arg0: i32, %arg1: i32, %arg2: memref<32x200x128xi32, #tpu.memory_space<hbm>>, %arg3: memref<1000001x64xf32, #tpu.memory_space<hbm>>, %arg4: memref<819200x64xf32, #tpu.memory_space<hbm>>, %arg5: memref<200x128xi32, #tpu.memory_space<vmem>>, %arg6: memref<10x128x64xf32, #tpu.memory_space<vmem>>, %arg7: memref<10x!tpu.dma_semaphore, #tpu.memory_space<semaphore_mem>>, %arg8: memref<10x!tpu.dma_semaphore, #tpu.memory_space<semaphore_mem>>) attributes {dimension_semantics = [#tpu.dimension_semantics<core_parallel>, #tpu.dimension_semantics<subcore_parallel>], iteration_bounds = array<i64: 2, 16>, scalar_prefetch = 0 : i64, scratch_operands = 4 : i64, tpu.core_type = #tpu.core_type<sc_vector_subcore>, window_params = [{transform_indices = #map}, {transform_indices = #map1}, {transform_indices = #map1}]} {
    %mul3A = arith.constant 2 : i32
    %mul3A_0 = arith.muli %arg1, %mul3A : i32
    %add3A = arith.addi %mul3A_0, %arg0 : i32
    %mul3A_1 = arith.constant 25600 : i32
    %mul3A_2 = arith.muli %add3A, %mul3A_1 : i32
    "tpu.region"() ({
      %run_scoped3A = tpu.sem_alloc : memref<!tpu.dma_semaphore, #tpu.memory_space<semaphore_mem>>
      %dma_start3A_261 = arith.constant 0 : i32
      %dma_start3A_262 = arith.constant 0 : i32
      %dma_start3A_263 = tpu.memref_slice %arg2[%add3A, %dma_start3A_261, %dma_start3A_262] : memref<32x200x128xi32, #tpu.memory_space<hbm>> -> memref<1x200x128xi32, #tpu.memory_space<hbm>>
      %dma_start3A_264 = tpu.memref_squeeze %dma_start3A_263 : memref<1x200x128xi32, #tpu.memory_space<hbm>> -> memref<200x128xi32, #tpu.memory_space<hbm>>
      %dma_start3A_265 = arith.constant 0 : i32
      %dma_start3A_266 = arith.constant 0 : i32
      %dma_start3A_267 = tpu.memref_slice %arg2[%add3A, %dma_start3A_265, %dma_start3A_266] : memref<32x200x128xi32, #tpu.memory_space<hbm>> -> memref<1x200x128xi32, #tpu.memory_space<hbm>>
      %dma_start3A_268 = tpu.memref_squeeze %dma_start3A_267 : memref<1x200x128xi32, #tpu.memory_space<hbm>> -> memref<200x128xi32, #tpu.memory_space<hbm>>
      tpu.enqueue_dma source(%dma_start3A_268 : memref<200x128xi32, #tpu.memory_space<hbm>>) target(%arg5 : memref<200x128xi32, #tpu.memory_space<vmem>>) target_semaphore(%run_scoped3A : memref<!tpu.dma_semaphore, #tpu.memory_space<semaphore_mem>>)
      %dma_wait3A_269 = arith.constant 0 : i32
      %dma_wait3A_270 = arith.constant 0 : i32
      %dma_wait3A_271 = tpu.memref_slice %arg2[%add3A, %dma_wait3A_269, %dma_wait3A_270] : memref<32x200x128xi32, #tpu.memory_space<hbm>> -> memref<1x200x128xi32, #tpu.memory_space<hbm>>
      %dma_wait3A_272 = tpu.memref_squeeze %dma_wait3A_271 : memref<1x200x128xi32, #tpu.memory_space<hbm>> -> memref<200x128xi32, #tpu.memory_space<hbm>>
      %dma_wait3A_273 = arith.constant 0 : i32
      %dma_wait3A_274 = arith.constant 0 : i32
      %dma_wait3A_275 = tpu.memref_slice %arg2[%add3A, %dma_wait3A_273, %dma_wait3A_274] : memref<32x200x128xi32, #tpu.memory_space<hbm>> -> memref<1x200x128xi32, #tpu.memory_space<hbm>>
      %dma_wait3A_276 = tpu.memref_squeeze %dma_wait3A_275 : memref<1x200x128xi32, #tpu.memory_space<hbm>> -> memref<200x128xi32, #tpu.memory_space<hbm>>
      tpu.wait_dma2 semaphore(%run_scoped3A : memref<!tpu.dma_semaphore, #tpu.memory_space<semaphore_mem>>) src(%dma_wait3A_276 : memref<200x128xi32, #tpu.memory_space<hbm>>) dst(%arg5 : memref<200x128xi32, #tpu.memory_space<vmem>>)
      tpu.yield
    }) : () -> ()
    %dma_start3A = arith.constant 0 : i32
    %dma_start3A_3 = arith.constant 0 : i32
    %dma_start3A_4 = arith.constant 0 : i32
    %dma_start3A_5 = arith.constant 0 : i32
    %dma_start3A_6 = arith.constant 0 : i32
    %dma_start3A_7 = tpu.memref_slice %arg6[%dma_start3A_3, %dma_start3A_5, %dma_start3A_6] : memref<10x128x64xf32, #tpu.memory_space<vmem>> -> memref<1x128x64xf32, #tpu.memory_space<vmem>>
    %dma_start3A_8 = tpu.memref_squeeze %dma_start3A_7 : memref<1x128x64xf32, #tpu.memory_space<vmem>> -> memref<128x64xf32, #tpu.memory_space<vmem>>
    %dma_start3A_9 = arith.constant 0 : i32
    %dma_start3A_10 = tpu.memref_slice %arg5[%dma_start3A, %dma_start3A_9] : memref<200x128xi32, #tpu.memory_space<vmem>> -> memref<1x128xi32, #tpu.memory_space<vmem>>
    %dma_start3A_11 = tpu.memref_squeeze %dma_start3A_10 : memref<1x128xi32, #tpu.memory_space<vmem>> -> memref<128xi32, #tpu.memory_space<vmem>>
    %dma_start3A_12 = arith.constant 0 : i32
    %dma_start3A_13 = arith.constant 0 : i32
    %dma_start3A_14 = tpu.memref_slice %arg3[%dma_start3A_12, %dma_start3A_13] : memref<1000001x64xf32, #tpu.memory_space<hbm>> -> memref<1000001x64xf32, #tpu.memory_space<hbm>>
    %dma_start3A_15 = tpu.memref_slice %arg7[%dma_start3A_4] : memref<10x!tpu.dma_semaphore, #tpu.memory_space<semaphore_mem>> -> memref<1x!tpu.dma_semaphore, #tpu.memory_space<semaphore_mem>>
    %dma_start3A_16 = tpu.memref_squeeze %dma_start3A_15 : memref<1x!tpu.dma_semaphore, #tpu.memory_space<semaphore_mem>> -> memref<!tpu.dma_semaphore, #tpu.memory_space<semaphore_mem>>
    tpu.enqueue_indirect_dma source(%dma_start3A_14 : memref<1000001x64xf32, #tpu.memory_space<hbm>>) target(%dma_start3A_8 : memref<128x64xf32, #tpu.memory_space<vmem>>) offsets(%dma_start3A_11 : memref<128xi32, #tpu.memory_space<vmem>>) semaphore(%dma_start3A_16 : memref<!tpu.dma_semaphore, #tpu.memory_space<semaphore_mem>>)
    %dma_start3A_17 = arith.constant 1 : i32
    %dma_start3A_18 = arith.constant 1 : i32
    %dma_start3A_19 = arith.constant 1 : i32
    %dma_start3A_20 = arith.constant 0 : i32
    %dma_start3A_21 = arith.constant 0 : i32
    %dma_start3A_22 = tpu.memref_slice %arg6[%dma_start3A_18, %dma_start3A_20, %dma_start3A_21] : memref<10x128x64xf32, #tpu.memory_space<vmem>> -> memref<1x128x64xf32, #tpu.memory_space<vmem>>
    %dma_start3A_23 = tpu.memref_squeeze %dma_start3A_22 : memref<1x128x64xf32, #tpu.memory_space<vmem>> -> memref<128x64xf32, #tpu.memory_space<vmem>>
    %dma_start3A_24 = arith.constant 0 : i32
    %dma_start3A_25 = tpu.memref_slice %arg5[%dma_start3A_17, %dma_start3A_24] : memref<200x128xi32, #tpu.memory_space<vmem>> -> memref<1x128xi32, #tpu.memory_space<vmem>>
    %dma_start3A_26 = tpu.memref_squeeze %dma_start3A_25 : memref<1x128xi32, #tpu.memory_space<vmem>> -> memref<128xi32, #tpu.memory_space<vmem>>
    %dma_start3A_27 = arith.constant 0 : i32
    %dma_start3A_28 = arith.constant 0 : i32
    %dma_start3A_29 = tpu.memref_slice %arg3[%dma_start3A_27, %dma_start3A_28] : memref<1000001x64xf32, #tpu.memory_space<hbm>> -> memref<1000001x64xf32, #tpu.memory_space<hbm>>
    %dma_start3A_30 = tpu.memref_slice %arg7[%dma_start3A_19] : memref<10x!tpu.dma_semaphore, #tpu.memory_space<semaphore_mem>> -> memref<1x!tpu.dma_semaphore, #tpu.memory_space<semaphore_mem>>
    %dma_start3A_31 = tpu.memref_squeeze %dma_start3A_30 : memref<1x!tpu.dma_semaphore, #tpu.memory_space<semaphore_mem>> -> memref<!tpu.dma_semaphore, #tpu.memory_space<semaphore_mem>>
    tpu.enqueue_indirect_dma source(%dma_start3A_29 : memref<1000001x64xf32, #tpu.memory_space<hbm>>) target(%dma_start3A_23 : memref<128x64xf32, #tpu.memory_space<vmem>>) offsets(%dma_start3A_26 : memref<128xi32, #tpu.memory_space<vmem>>) semaphore(%dma_start3A_31 : memref<!tpu.dma_semaphore, #tpu.memory_space<semaphore_mem>>)
    %dma_start3A_32 = arith.constant 2 : i32
    %dma_start3A_33 = arith.constant 2 : i32
    %dma_start3A_34 = arith.constant 2 : i32
    %dma_start3A_35 = arith.constant 0 : i32
    %dma_start3A_36 = arith.constant 0 : i32
    %dma_start3A_37 = tpu.memref_slice %arg6[%dma_start3A_33, %dma_start3A_35, %dma_start3A_36] : memref<10x128x64xf32, #tpu.memory_space<vmem>> -> memref<1x128x64xf32, #tpu.memory_space<vmem>>
    %dma_start3A_38 = tpu.memref_squeeze %dma_start3A_37 : memref<1x128x64xf32, #tpu.memory_space<vmem>> -> memref<128x64xf32, #tpu.memory_space<vmem>>
    %dma_start3A_39 = arith.constant 0 : i32
    %dma_start3A_40 = tpu.memref_slice %arg5[%dma_start3A_32, %dma_start3A_39] : memref<200x128xi32, #tpu.memory_space<vmem>> -> memref<1x128xi32, #tpu.memory_space<vmem>>
    %dma_start3A_41 = tpu.memref_squeeze %dma_start3A_40 : memref<1x128xi32, #tpu.memory_space<vmem>> -> memref<128xi32, #tpu.memory_space<vmem>>
    %dma_start3A_42 = arith.constant 0 : i32
    %dma_start3A_43 = arith.constant 0 : i32
    %dma_start3A_44 = tpu.memref_slice %arg3[%dma_start3A_42, %dma_start3A_43] : memref<1000001x64xf32, #tpu.memory_space<hbm>> -> memref<1000001x64xf32, #tpu.memory_space<hbm>>
    %dma_start3A_45 = tpu.memref_slice %arg7[%dma_start3A_34] : memref<10x!tpu.dma_semaphore, #tpu.memory_space<semaphore_mem>> -> memref<1x!tpu.dma_semaphore, #tpu.memory_space<semaphore_mem>>
    %dma_start3A_46 = tpu.memref_squeeze %dma_start3A_45 : memref<1x!tpu.dma_semaphore, #tpu.memory_space<semaphore_mem>> -> memref<!tpu.dma_semaphore, #tpu.memory_space<semaphore_mem>>
    tpu.enqueue_indirect_dma source(%dma_start3A_44 : memref<1000001x64xf32, #tpu.memory_space<hbm>>) target(%dma_start3A_38 : memref<128x64xf32, #tpu.memory_space<vmem>>) offsets(%dma_start3A_41 : memref<128xi32, #tpu.memory_space<vmem>>) semaphore(%dma_start3A_46 : memref<!tpu.dma_semaphore, #tpu.memory_space<semaphore_mem>>)
    %dma_start3A_47 = arith.constant 3 : i32
    %dma_start3A_48 = arith.constant 3 : i32
    %dma_start3A_49 = arith.constant 3 : i32
    %dma_start3A_50 = arith.constant 0 : i32
    %dma_start3A_51 = arith.constant 0 : i32
    %dma_start3A_52 = tpu.memref_slice %arg6[%dma_start3A_48, %dma_start3A_50, %dma_start3A_51] : memref<10x128x64xf32, #tpu.memory_space<vmem>> -> memref<1x128x64xf32, #tpu.memory_space<vmem>>
    %dma_start3A_53 = tpu.memref_squeeze %dma_start3A_52 : memref<1x128x64xf32, #tpu.memory_space<vmem>> -> memref<128x64xf32, #tpu.memory_space<vmem>>
    %dma_start3A_54 = arith.constant 0 : i32
    %dma_start3A_55 = tpu.memref_slice %arg5[%dma_start3A_47, %dma_start3A_54] : memref<200x128xi32, #tpu.memory_space<vmem>> -> memref<1x128xi32, #tpu.memory_space<vmem>>
    %dma_start3A_56 = tpu.memref_squeeze %dma_start3A_55 : memref<1x128xi32, #tpu.memory_space<vmem>> -> memref<128xi32, #tpu.memory_space<vmem>>
    %dma_start3A_57 = arith.constant 0 : i32
    %dma_start3A_58 = arith.constant 0 : i32
    %dma_start3A_59 = tpu.memref_slice %arg3[%dma_start3A_57, %dma_start3A_58] : memref<1000001x64xf32, #tpu.memory_space<hbm>> -> memref<1000001x64xf32, #tpu.memory_space<hbm>>
    %dma_start3A_60 = tpu.memref_slice %arg7[%dma_start3A_49] : memref<10x!tpu.dma_semaphore, #tpu.memory_space<semaphore_mem>> -> memref<1x!tpu.dma_semaphore, #tpu.memory_space<semaphore_mem>>
    %dma_start3A_61 = tpu.memref_squeeze %dma_start3A_60 : memref<1x!tpu.dma_semaphore, #tpu.memory_space<semaphore_mem>> -> memref<!tpu.dma_semaphore, #tpu.memory_space<semaphore_mem>>
    tpu.enqueue_indirect_dma source(%dma_start3A_59 : memref<1000001x64xf32, #tpu.memory_space<hbm>>) target(%dma_start3A_53 : memref<128x64xf32, #tpu.memory_space<vmem>>) offsets(%dma_start3A_56 : memref<128xi32, #tpu.memory_space<vmem>>) semaphore(%dma_start3A_61 : memref<!tpu.dma_semaphore, #tpu.memory_space<semaphore_mem>>)
    %dma_start3A_62 = arith.constant 4 : i32
    %dma_start3A_63 = arith.constant 4 : i32
    %dma_start3A_64 = arith.constant 4 : i32
    %dma_start3A_65 = arith.constant 0 : i32
    %dma_start3A_66 = arith.constant 0 : i32
    %dma_start3A_67 = tpu.memref_slice %arg6[%dma_start3A_63, %dma_start3A_65, %dma_start3A_66] : memref<10x128x64xf32, #tpu.memory_space<vmem>> -> memref<1x128x64xf32, #tpu.memory_space<vmem>>
    %dma_start3A_68 = tpu.memref_squeeze %dma_start3A_67 : memref<1x128x64xf32, #tpu.memory_space<vmem>> -> memref<128x64xf32, #tpu.memory_space<vmem>>
    %dma_start3A_69 = arith.constant 0 : i32
    %dma_start3A_70 = tpu.memref_slice %arg5[%dma_start3A_62, %dma_start3A_69] : memref<200x128xi32, #tpu.memory_space<vmem>> -> memref<1x128xi32, #tpu.memory_space<vmem>>
    %dma_start3A_71 = tpu.memref_squeeze %dma_start3A_70 : memref<1x128xi32, #tpu.memory_space<vmem>> -> memref<128xi32, #tpu.memory_space<vmem>>
    %dma_start3A_72 = arith.constant 0 : i32
    %dma_start3A_73 = arith.constant 0 : i32
    %dma_start3A_74 = tpu.memref_slice %arg3[%dma_start3A_72, %dma_start3A_73] : memref<1000001x64xf32, #tpu.memory_space<hbm>> -> memref<1000001x64xf32, #tpu.memory_space<hbm>>
    %dma_start3A_75 = tpu.memref_slice %arg7[%dma_start3A_64] : memref<10x!tpu.dma_semaphore, #tpu.memory_space<semaphore_mem>> -> memref<1x!tpu.dma_semaphore, #tpu.memory_space<semaphore_mem>>
    %dma_start3A_76 = tpu.memref_squeeze %dma_start3A_75 : memref<1x!tpu.dma_semaphore, #tpu.memory_space<semaphore_mem>> -> memref<!tpu.dma_semaphore, #tpu.memory_space<semaphore_mem>>
    tpu.enqueue_indirect_dma source(%dma_start3A_74 : memref<1000001x64xf32, #tpu.memory_space<hbm>>) target(%dma_start3A_68 : memref<128x64xf32, #tpu.memory_space<vmem>>) offsets(%dma_start3A_71 : memref<128xi32, #tpu.memory_space<vmem>>) semaphore(%dma_start3A_76 : memref<!tpu.dma_semaphore, #tpu.memory_space<semaphore_mem>>)
    %scan3A = arith.constant 0 : i32
    %scan3A_77 = arith.constant 0 : i32
    %scan3A_78 = arith.constant 20 : i32
    %scan3A_79 = arith.addi %scan3A_77, %scan3A_78 : i32
    %scan3A_80 = arith.constant 1 : i32
    scf.for %scan3A_261 = %scan3A_77 to %scan3A_79 step %scan3A_80  : i32 {
      %mul3A_262 = arith.constant 10 : i32
      %mul3A_263 = arith.muli %scan3A_261, %mul3A_262 : i32
      %add3A_264 = arith.constant 0 : i32
      %add3A_265 = arith.addi %mul3A_263, %add3A_264 : i32
      %dma_wait3A_266 = arith.constant 0 : i32
      %dma_wait3A_267 = arith.constant 0 : i32
      %dma_wait3A_268 = arith.constant 0 : i32
      %dma_wait3A_269 = arith.constant 0 : i32
      %dma_wait3A_270 = arith.constant 0 : i32
      %dma_wait3A_271 = tpu.memref_slice %arg6[%dma_wait3A_267, %dma_wait3A_269, %dma_wait3A_270] : memref<10x128x64xf32, #tpu.memory_space<vmem>> -> memref<1x128x64xf32, #tpu.memory_space<vmem>>
      %dma_wait3A_272 = tpu.memref_squeeze %dma_wait3A_271 : memref<1x128x64xf32, #tpu.memory_space<vmem>> -> memref<128x64xf32, #tpu.memory_space<vmem>>
      %dma_wait3A_273 = arith.constant 0 : i32
      %dma_wait3A_274 = tpu.memref_slice %arg5[%dma_wait3A_266, %dma_wait3A_273] : memref<200x128xi32, #tpu.memory_space<vmem>> -> memref<1x128xi32, #tpu.memory_space<vmem>>
      %dma_wait3A_275 = tpu.memref_squeeze %dma_wait3A_274 : memref<1x128xi32, #tpu.memory_space<vmem>> -> memref<128xi32, #tpu.memory_space<vmem>>
      %dma_wait3A_276 = arith.constant 0 : i32
      %dma_wait3A_277 = arith.constant 0 : i32
      %dma_wait3A_278 = tpu.memref_slice %arg3[%dma_wait3A_276, %dma_wait3A_277] : memref<1000001x64xf32, #tpu.memory_space<hbm>> -> memref<1000001x64xf32, #tpu.memory_space<hbm>>
      %dma_wait3A_279 = tpu.memref_slice %arg7[%dma_wait3A_268] : memref<10x!tpu.dma_semaphore, #tpu.memory_space<semaphore_mem>> -> memref<1x!tpu.dma_semaphore, #tpu.memory_space<semaphore_mem>>
      %dma_wait3A_280 = tpu.memref_squeeze %dma_wait3A_279 : memref<1x!tpu.dma_semaphore, #tpu.memory_space<semaphore_mem>> -> memref<!tpu.dma_semaphore, #tpu.memory_space<semaphore_mem>>
      tpu.wait_indirect_dma semaphore(%dma_wait3A_280 : memref<!tpu.dma_semaphore, #tpu.memory_space<semaphore_mem>>) src(%dma_wait3A_278 : memref<1000001x64xf32, #tpu.memory_space<hbm>>) dst(%dma_wait3A_272 : memref<128x64xf32, #tpu.memory_space<vmem>>)
      %mul3A_281 = arith.constant 128 : i32
      %mul3A_282 = arith.muli %add3A_265, %mul3A_281 : i32
      %add3A_283 = arith.addi %mul3A_2, %mul3A_282 : i32
      %dma_start3A_284 = arith.constant 0 : i32
      %dma_start3A_285 = arith.constant 0 : i32
      %dma_start3A_286 = arith.constant 0 : i32
      %dma_start3A_287 = arith.constant 0 : i32
      %dma_start3A_288 = tpu.memref_slice %arg6[%dma_start3A_284, %dma_start3A_286, %dma_start3A_287] : memref<10x128x64xf32, #tpu.memory_space<vmem>> -> memref<1x128x64xf32, #tpu.memory_space<vmem>>
      %dma_start3A_289 = tpu.memref_squeeze %dma_start3A_288 : memref<1x128x64xf32, #tpu.memory_space<vmem>> -> memref<128x64xf32, #tpu.memory_space<vmem>>
      %dma_start3A_290 = arith.constant 0 : i32
      %dma_start3A_291 = tpu.memref_slice %arg4[%add3A_283, %dma_start3A_290] : memref<819200x64xf32, #tpu.memory_space<hbm>> -> memref<128x64xf32, #tpu.memory_space<hbm>>
      %dma_start3A_292 = tpu.memref_slice %arg8[%dma_start3A_285] : memref<10x!tpu.dma_semaphore, #tpu.memory_space<semaphore_mem>> -> memref<1x!tpu.dma_semaphore, #tpu.memory_space<semaphore_mem>>
      %dma_start3A_293 = tpu.memref_squeeze %dma_start3A_292 : memref<1x!tpu.dma_semaphore, #tpu.memory_space<semaphore_mem>> -> memref<!tpu.dma_semaphore, #tpu.memory_space<semaphore_mem>>
      %dma_start3A_294 = arith.constant 0 : i32
      %dma_start3A_295 = tpu.memref_slice %arg4[%add3A_283, %dma_start3A_294] : memref<819200x64xf32, #tpu.memory_space<hbm>> -> memref<128x64xf32, #tpu.memory_space<hbm>>
      %dma_start3A_296 = arith.constant 0 : i32
      %dma_start3A_297 = arith.constant 0 : i32
      %dma_start3A_298 = tpu.memref_slice %arg6[%dma_start3A_284, %dma_start3A_296, %dma_start3A_297] : memref<10x128x64xf32, #tpu.memory_space<vmem>> -> memref<1x128x64xf32, #tpu.memory_space<vmem>>
      %dma_start3A_299 = tpu.memref_squeeze %dma_start3A_298 : memref<1x128x64xf32, #tpu.memory_space<vmem>> -> memref<128x64xf32, #tpu.memory_space<vmem>>
      tpu.enqueue_dma source(%dma_start3A_299 : memref<128x64xf32, #tpu.memory_space<vmem>>) target(%dma_start3A_295 : memref<128x64xf32, #tpu.memory_space<hbm>>) target_semaphore(%dma_start3A_293 : memref<!tpu.dma_semaphore, #tpu.memory_space<semaphore_mem>>)
      %add3A_300 = arith.constant 5 : i32
      %add3A_301 = arith.addi %add3A_265, %add3A_300 : i32
      %lt3A = arith.constant 200 : i32
      %lt3A_302 = arith.cmpi slt, %add3A_301, %lt3A : i32
      %convert_element_type3A = arith.extui %lt3A_302 : i1 to i32
      %cond3A = arith.constant 0 : i32
      %cond3A_303 = arith.cmpi ne, %convert_element_type3A, %cond3A : i32
      scf.if %cond3A_303 {
        %ge3A = arith.constant 10 : i32
        %ge3A_691 = arith.cmpi sge, %add3A_301, %ge3A : i32
        %convert_element_type3A_692 = arith.extui %ge3A_691 : i1 to i32
        %cond3A_693 = arith.constant 0 : i32
        %cond3A_694 = arith.cmpi ne, %convert_element_type3A_692, %cond3A_693 : i32
        scf.if %cond3A_694 {
          %dma_wait3A_709 = arith.constant 5 : i32
          %dma_wait3A_710 = arith.constant 5 : i32
          %dma_wait3A_711 = arith.constant 0 : i32
          %dma_wait3A_712 = arith.constant 0 : i32
          %dma_wait3A_713 = tpu.memref_slice %arg6[%dma_wait3A_709, %dma_wait3A_711, %dma_wait3A_712] : memref<10x128x64xf32, #tpu.memory_space<vmem>> -> memref<1x128x64xf32, #tpu.memory_space<vmem>>
          %dma_wait3A_714 = tpu.memref_squeeze %dma_wait3A_713 : memref<1x128x64xf32, #tpu.memory_space<vmem>> -> memref<128x64xf32, #tpu.memory_space<vmem>>
          %dma_wait3A_715 = arith.constant 0 : i32
          %dma_wait3A_716 = arith.constant 0 : i32
          %dma_wait3A_717 = tpu.memref_slice %arg4[%dma_wait3A_715, %dma_wait3A_716] : memref<819200x64xf32, #tpu.memory_space<hbm>> -> memref<128x64xf32, #tpu.memory_space<hbm>>
          %dma_wait3A_718 = tpu.memref_slice %arg8[%dma_wait3A_710] : memref<10x!tpu.dma_semaphore, #tpu.memory_space<semaphore_mem>> -> memref<1x!tpu.dma_semaphore, #tpu.memory_space<semaphore_mem>>
          %dma_wait3A_719 = tpu.memref_squeeze %dma_wait3A_718 : memref<1x!tpu.dma_semaphore, #tpu.memory_space<semaphore_mem>> -> memref<!tpu.dma_semaphore, #tpu.memory_space<semaphore_mem>>
          %dma_wait3A_720 = arith.constant 0 : i32
          %dma_wait3A_721 = arith.constant 0 : i32
          %dma_wait3A_722 = tpu.memref_slice %arg4[%dma_wait3A_720, %dma_wait3A_721] : memref<819200x64xf32, #tpu.memory_space<hbm>> -> memref<128x64xf32, #tpu.memory_space<hbm>>
          %dma_wait3A_723 = arith.constant 0 : i32
          %dma_wait3A_724 = arith.constant 0 : i32
          %dma_wait3A_725 = tpu.memref_slice %arg6[%dma_wait3A_709, %dma_wait3A_723, %dma_wait3A_724] : memref<10x128x64xf32, #tpu.memory_space<vmem>> -> memref<1x128x64xf32, #tpu.memory_space<vmem>>
          %dma_wait3A_726 = tpu.memref_squeeze %dma_wait3A_725 : memref<1x128x64xf32, #tpu.memory_space<vmem>> -> memref<128x64xf32, #tpu.memory_space<vmem>>
          tpu.wait_dma2 semaphore(%dma_wait3A_719 : memref<!tpu.dma_semaphore, #tpu.memory_space<semaphore_mem>>) src(%dma_wait3A_726 : memref<128x64xf32, #tpu.memory_space<vmem>>) dst(%dma_wait3A_722 : memref<128x64xf32, #tpu.memory_space<hbm>>)
        } else {
        }
        %dma_start3A_695 = arith.constant 5 : i32
        %dma_start3A_696 = arith.constant 5 : i32
        %dma_start3A_697 = arith.constant 0 : i32
        %dma_start3A_698 = arith.constant 0 : i32
        %dma_start3A_699 = tpu.memref_slice %arg6[%dma_start3A_695, %dma_start3A_697, %dma_start3A_698] : memref<10x128x64xf32, #tpu.memory_space<vmem>> -> memref<1x128x64xf32, #tpu.memory_space<vmem>>
        %dma_start3A_700 = tpu.memref_squeeze %dma_start3A_699 : memref<1x128x64xf32, #tpu.memory_space<vmem>> -> memref<128x64xf32, #tpu.memory_space<vmem>>
        %dma_start3A_701 = arith.constant 0 : i32
        %dma_start3A_702 = tpu.memref_slice %arg5[%add3A_301, %dma_start3A_701] : memref<200x128xi32, #tpu.memory_space<vmem>> -> memref<1x128xi32, #tpu.memory_space<vmem>>
        %dma_start3A_703 = tpu.memref_squeeze %dma_start3A_702 : memref<1x128xi32, #tpu.memory_space<vmem>> -> memref<128xi32, #tpu.memory_space<vmem>>
        %dma_start3A_704 = arith.constant 0 : i32
        %dma_start3A_705 = arith.constant 0 : i32
        %dma_start3A_706 = tpu.memref_slice %arg3[%dma_start3A_704, %dma_start3A_705] : memref<1000001x64xf32, #tpu.memory_space<hbm>> -> memref<1000001x64xf32, #tpu.memory_space<hbm>>
        %dma_start3A_707 = tpu.memref_slice %arg7[%dma_start3A_696] : memref<10x!tpu.dma_semaphore, #tpu.memory_space<semaphore_mem>> -> memref<1x!tpu.dma_semaphore, #tpu.memory_space<semaphore_mem>>
        %dma_start3A_708 = tpu.memref_squeeze %dma_start3A_707 : memref<1x!tpu.dma_semaphore, #tpu.memory_space<semaphore_mem>> -> memref<!tpu.dma_semaphore, #tpu.memory_space<semaphore_mem>>
        tpu.enqueue_indirect_dma source(%dma_start3A_706 : memref<1000001x64xf32, #tpu.memory_space<hbm>>) target(%dma_start3A_700 : memref<128x64xf32, #tpu.memory_space<vmem>>) offsets(%dma_start3A_703 : memref<128xi32, #tpu.memory_space<vmem>>) semaphore(%dma_start3A_708 : memref<!tpu.dma_semaphore, #tpu.memory_space<semaphore_mem>>)
      } else {
      }
      %add3A_304 = arith.constant 1 : i32
      %add3A_305 = arith.addi %mul3A_263, %add3A_304 : i32
      %dma_wait3A_306 = arith.constant 0 : i32
      %dma_wait3A_307 = arith.constant 1 : i32
      %dma_wait3A_308 = arith.constant 1 : i32
      %dma_wait3A_309 = arith.constant 0 : i32
      %dma_wait3A_310 = arith.constant 0 : i32
      %dma_wait3A_311 = tpu.memref_slice %arg6[%dma_wait3A_307, %dma_wait3A_309, %dma_wait3A_310] : memref<10x128x64xf32, #tpu.memory_space<vmem>> -> memref<1x128x64xf32, #tpu.memory_space<vmem>>
      %dma_wait3A_312 = tpu.memref_squeeze %dma_wait3A_311 : memref<1x128x64xf32, #tpu.memory_space<vmem>> -> memref<128x64xf32, #tpu.memory_space<vmem>>
      %dma_wait3A_313 = arith.constant 0 : i32
      %dma_wait3A_314 = tpu.memref_slice %arg5[%dma_wait3A_306, %dma_wait3A_313] : memref<200x128xi32, #tpu.memory_space<vmem>> -> memref<1x128xi32, #tpu.memory_space<vmem>>
      %dma_wait3A_315 = tpu.memref_squeeze %dma_wait3A_314 : memref<1x128xi32, #tpu.memory_space<vmem>> -> memref<128xi32, #tpu.memory_space<vmem>>
      %dma_wait3A_316 = arith.constant 0 : i32
      %dma_wait3A_317 = arith.constant 0 : i32
      %dma_wait3A_318 = tpu.memref_slice %arg3[%dma_wait3A_316, %dma_wait3A_317] : memref<1000001x64xf32, #tpu.memory_space<hbm>> -> memref<1000001x64xf32, #tpu.memory_space<hbm>>
      %dma_wait3A_319 = tpu.memref_slice %arg7[%dma_wait3A_308] : memref<10x!tpu.dma_semaphore, #tpu.memory_space<semaphore_mem>> -> memref<1x!tpu.dma_semaphore, #tpu.memory_space<semaphore_mem>>
      %dma_wait3A_320 = tpu.memref_squeeze %dma_wait3A_319 : memref<1x!tpu.dma_semaphore, #tpu.memory_space<semaphore_mem>> -> memref<!tpu.dma_semaphore, #tpu.memory_space<semaphore_mem>>
      tpu.wait_indirect_dma semaphore(%dma_wait3A_320 : memref<!tpu.dma_semaphore, #tpu.memory_space<semaphore_mem>>) src(%dma_wait3A_318 : memref<1000001x64xf32, #tpu.memory_space<hbm>>) dst(%dma_wait3A_312 : memref<128x64xf32, #tpu.memory_space<vmem>>)
      %mul3A_321 = arith.constant 128 : i32
      %mul3A_322 = arith.muli %add3A_305, %mul3A_321 : i32
      %add3A_323 = arith.addi %mul3A_2, %mul3A_322 : i32
      %dma_start3A_324 = arith.constant 1 : i32
      %dma_start3A_325 = arith.constant 1 : i32
      %dma_start3A_326 = arith.constant 0 : i32
      %dma_start3A_327 = arith.constant 0 : i32
      %dma_start3A_328 = tpu.memref_slice %arg6[%dma_start3A_324, %dma_start3A_326, %dma_start3A_327] : memref<10x128x64xf32, #tpu.memory_space<vmem>> -> memref<1x128x64xf32, #tpu.memory_space<vmem>>
      %dma_start3A_329 = tpu.memref_squeeze %dma_start3A_328 : memref<1x128x64xf32, #tpu.memory_space<vmem>> -> memref<128x64xf32, #tpu.memory_space<vmem>>
      %dma_start3A_330 = arith.constant 0 : i32
      %dma_start3A_331 = tpu.memref_slice %arg4[%add3A_323, %dma_start3A_330] : memref<819200x64xf32, #tpu.memory_space<hbm>> -> memref<128x64xf32, #tpu.memory_space<hbm>>
      %dma_start3A_332 = tpu.memref_slice %arg8[%dma_start3A_325] : memref<10x!tpu.dma_semaphore, #tpu.memory_space<semaphore_mem>> -> memref<1x!tpu.dma_semaphore, #tpu.memory_space<semaphore_mem>>
      %dma_start3A_333 = tpu.memref_squeeze %dma_start3A_332 : memref<1x!tpu.dma_semaphore, #tpu.memory_space<semaphore_mem>> -> memref<!tpu.dma_semaphore, #tpu.memory_space<semaphore_mem>>
      %dma_start3A_334 = arith.constant 0 : i32
      %dma_start3A_335 = tpu.memref_slice %arg4[%add3A_323, %dma_start3A_334] : memref<819200x64xf32, #tpu.memory_space<hbm>> -> memref<128x64xf32, #tpu.memory_space<hbm>>
      %dma_start3A_336 = arith.constant 0 : i32
      %dma_start3A_337 = arith.constant 0 : i32
      %dma_start3A_338 = tpu.memref_slice %arg6[%dma_start3A_324, %dma_start3A_336, %dma_start3A_337] : memref<10x128x64xf32, #tpu.memory_space<vmem>> -> memref<1x128x64xf32, #tpu.memory_space<vmem>>
      %dma_start3A_339 = tpu.memref_squeeze %dma_start3A_338 : memref<1x128x64xf32, #tpu.memory_space<vmem>> -> memref<128x64xf32, #tpu.memory_space<vmem>>
      tpu.enqueue_dma source(%dma_start3A_339 : memref<128x64xf32, #tpu.memory_space<vmem>>) target(%dma_start3A_335 : memref<128x64xf32, #tpu.memory_space<hbm>>) target_semaphore(%dma_start3A_333 : memref<!tpu.dma_semaphore, #tpu.memory_space<semaphore_mem>>)
      %add3A_340 = arith.constant 5 : i32
      %add3A_341 = arith.addi %add3A_305, %add3A_340 : i32
      %lt3A_342 = arith.constant 200 : i32
      %lt3A_343 = arith.cmpi slt, %add3A_341, %lt3A_342 : i32
      %convert_element_type3A_344 = arith.extui %lt3A_343 : i1 to i32
      %cond3A_345 = arith.constant 0 : i32
      %cond3A_346 = arith.cmpi ne, %convert_element_type3A_344, %cond3A_345 : i32
      scf.if %cond3A_346 {
        %ge3A = arith.constant 10 : i32
        %ge3A_691 = arith.cmpi sge, %add3A_341, %ge3A : i32
        %convert_element_type3A_692 = arith.extui %ge3A_691 : i1 to i32
        %cond3A_693 = arith.constant 0 : i32
        %cond3A_694 = arith.cmpi ne, %convert_element_type3A_692, %cond3A_693 : i32
        scf.if %cond3A_694 {
          %dma_wait3A_709 = arith.constant 6 : i32
          %dma_wait3A_710 = arith.constant 6 : i32
          %dma_wait3A_711 = arith.constant 0 : i32
          %dma_wait3A_712 = arith.constant 0 : i32
          %dma_wait3A_713 = tpu.memref_slice %arg6[%dma_wait3A_709, %dma_wait3A_711, %dma_wait3A_712] : memref<10x128x64xf32, #tpu.memory_space<vmem>> -> memref<1x128x64xf32, #tpu.memory_space<vmem>>
          %dma_wait3A_714 = tpu.memref_squeeze %dma_wait3A_713 : memref<1x128x64xf32, #tpu.memory_space<vmem>> -> memref<128x64xf32, #tpu.memory_space<vmem>>
          %dma_wait3A_715 = arith.constant 0 : i32
          %dma_wait3A_716 = arith.constant 0 : i32
          %dma_wait3A_717 = tpu.memref_slice %arg4[%dma_wait3A_715, %dma_wait3A_716] : memref<819200x64xf32, #tpu.memory_space<hbm>> -> memref<128x64xf32, #tpu.memory_space<hbm>>
          %dma_wait3A_718 = tpu.memref_slice %arg8[%dma_wait3A_710] : memref<10x!tpu.dma_semaphore, #tpu.memory_space<semaphore_mem>> -> memref<1x!tpu.dma_semaphore, #tpu.memory_space<semaphore_mem>>
          %dma_wait3A_719 = tpu.memref_squeeze %dma_wait3A_718 : memref<1x!tpu.dma_semaphore, #tpu.memory_space<semaphore_mem>> -> memref<!tpu.dma_semaphore, #tpu.memory_space<semaphore_mem>>
          %dma_wait3A_720 = arith.constant 0 : i32
          %dma_wait3A_721 = arith.constant 0 : i32
          %dma_wait3A_722 = tpu.memref_slice %arg4[%dma_wait3A_720, %dma_wait3A_721] : memref<819200x64xf32, #tpu.memory_space<hbm>> -> memref<128x64xf32, #tpu.memory_space<hbm>>
          %dma_wait3A_723 = arith.constant 0 : i32
          %dma_wait3A_724 = arith.constant 0 : i32
          %dma_wait3A_725 = tpu.memref_slice %arg6[%dma_wait3A_709, %dma_wait3A_723, %dma_wait3A_724] : memref<10x128x64xf32, #tpu.memory_space<vmem>> -> memref<1x128x64xf32, #tpu.memory_space<vmem>>
          %dma_wait3A_726 = tpu.memref_squeeze %dma_wait3A_725 : memref<1x128x64xf32, #tpu.memory_space<vmem>> -> memref<128x64xf32, #tpu.memory_space<vmem>>
          tpu.wait_dma2 semaphore(%dma_wait3A_719 : memref<!tpu.dma_semaphore, #tpu.memory_space<semaphore_mem>>) src(%dma_wait3A_726 : memref<128x64xf32, #tpu.memory_space<vmem>>) dst(%dma_wait3A_722 : memref<128x64xf32, #tpu.memory_space<hbm>>)
        } else {
        }
        %dma_start3A_695 = arith.constant 6 : i32
        %dma_start3A_696 = arith.constant 6 : i32
        %dma_start3A_697 = arith.constant 0 : i32
        %dma_start3A_698 = arith.constant 0 : i32
        %dma_start3A_699 = tpu.memref_slice %arg6[%dma_start3A_695, %dma_start3A_697, %dma_start3A_698] : memref<10x128x64xf32, #tpu.memory_space<vmem>> -> memref<1x128x64xf32, #tpu.memory_space<vmem>>
        %dma_start3A_700 = tpu.memref_squeeze %dma_start3A_699 : memref<1x128x64xf32, #tpu.memory_space<vmem>> -> memref<128x64xf32, #tpu.memory_space<vmem>>
        %dma_start3A_701 = arith.constant 0 : i32
        %dma_start3A_702 = tpu.memref_slice %arg5[%add3A_341, %dma_start3A_701] : memref<200x128xi32, #tpu.memory_space<vmem>> -> memref<1x128xi32, #tpu.memory_space<vmem>>
        %dma_start3A_703 = tpu.memref_squeeze %dma_start3A_702 : memref<1x128xi32, #tpu.memory_space<vmem>> -> memref<128xi32, #tpu.memory_space<vmem>>
        %dma_start3A_704 = arith.constant 0 : i32
        %dma_start3A_705 = arith.constant 0 : i32
        %dma_start3A_706 = tpu.memref_slice %arg3[%dma_start3A_704, %dma_start3A_705] : memref<1000001x64xf32, #tpu.memory_space<hbm>> -> memref<1000001x64xf32, #tpu.memory_space<hbm>>
        %dma_start3A_707 = tpu.memref_slice %arg7[%dma_start3A_696] : memref<10x!tpu.dma_semaphore, #tpu.memory_space<semaphore_mem>> -> memref<1x!tpu.dma_semaphore, #tpu.memory_space<semaphore_mem>>
        %dma_start3A_708 = tpu.memref_squeeze %dma_start3A_707 : memref<1x!tpu.dma_semaphore, #tpu.memory_space<semaphore_mem>> -> memref<!tpu.dma_semaphore, #tpu.memory_space<semaphore_mem>>
        tpu.enqueue_indirect_dma source(%dma_start3A_706 : memref<1000001x64xf32, #tpu.memory_space<hbm>>) target(%dma_start3A_700 : memref<128x64xf32, #tpu.memory_space<vmem>>) offsets(%dma_start3A_703 : memref<128xi32, #tpu.memory_space<vmem>>) semaphore(%dma_start3A_708 : memref<!tpu.dma_semaphore, #tpu.memory_space<semaphore_mem>>)
      } else {
      }
      %add3A_347 = arith.constant 2 : i32
      %add3A_348 = arith.addi %mul3A_263, %add3A_347 : i32
      %dma_wait3A_349 = arith.constant 0 : i32
      %dma_wait3A_350 = arith.constant 2 : i32
      %dma_wait3A_351 = arith.constant 2 : i32
      %dma_wait3A_352 = arith.constant 0 : i32
      %dma_wait3A_353 = arith.constant 0 : i32
      %dma_wait3A_354 = tpu.memref_slice %arg6[%dma_wait3A_350, %dma_wait3A_352, %dma_wait3A_353] : memref<10x128x64xf32, #tpu.memory_space<vmem>> -> memref<1x128x64xf32, #tpu.memory_space<vmem>>
      %dma_wait3A_355 = tpu.memref_squeeze %dma_wait3A_354 : memref<1x128x64xf32, #tpu.memory_space<vmem>> -> memref<128x64xf32, #tpu.memory_space<vmem>>
      %dma_wait3A_356 = arith.constant 0 : i32
      %dma_wait3A_357 = tpu.memref_slice %arg5[%dma_wait3A_349, %dma_wait3A_356] : memref<200x128xi32, #tpu.memory_space<vmem>> -> memref<1x128xi32, #tpu.memory_space<vmem>>
      %dma_wait3A_358 = tpu.memref_squeeze %dma_wait3A_357 : memref<1x128xi32, #tpu.memory_space<vmem>> -> memref<128xi32, #tpu.memory_space<vmem>>
      %dma_wait3A_359 = arith.constant 0 : i32
      %dma_wait3A_360 = arith.constant 0 : i32
      %dma_wait3A_361 = tpu.memref_slice %arg3[%dma_wait3A_359, %dma_wait3A_360] : memref<1000001x64xf32, #tpu.memory_space<hbm>> -> memref<1000001x64xf32, #tpu.memory_space<hbm>>
      %dma_wait3A_362 = tpu.memref_slice %arg7[%dma_wait3A_351] : memref<10x!tpu.dma_semaphore, #tpu.memory_space<semaphore_mem>> -> memref<1x!tpu.dma_semaphore, #tpu.memory_space<semaphore_mem>>
      %dma_wait3A_363 = tpu.memref_squeeze %dma_wait3A_362 : memref<1x!tpu.dma_semaphore, #tpu.memory_space<semaphore_mem>> -> memref<!tpu.dma_semaphore, #tpu.memory_space<semaphore_mem>>
      tpu.wait_indirect_dma semaphore(%dma_wait3A_363 : memref<!tpu.dma_semaphore, #tpu.memory_space<semaphore_mem>>) src(%dma_wait3A_361 : memref<1000001x64xf32, #tpu.memory_space<hbm>>) dst(%dma_wait3A_355 : memref<128x64xf32, #tpu.memory_space<vmem>>)
      %mul3A_364 = arith.constant 128 : i32
      %mul3A_365 = arith.muli %add3A_348, %mul3A_364 : i32
      %add3A_366 = arith.addi %mul3A_2, %mul3A_365 : i32
      %dma_start3A_367 = arith.constant 2 : i32
      %dma_start3A_368 = arith.constant 2 : i32
      %dma_start3A_369 = arith.constant 0 : i32
      %dma_start3A_370 = arith.constant 0 : i32
      %dma_start3A_371 = tpu.memref_slice %arg6[%dma_start3A_367, %dma_start3A_369, %dma_start3A_370] : memref<10x128x64xf32, #tpu.memory_space<vmem>> -> memref<1x128x64xf32, #tpu.memory_space<vmem>>
      %dma_start3A_372 = tpu.memref_squeeze %dma_start3A_371 : memref<1x128x64xf32, #tpu.memory_space<vmem>> -> memref<128x64xf32, #tpu.memory_space<vmem>>
      %dma_start3A_373 = arith.constant 0 : i32
      %dma_start3A_374 = tpu.memref_slice %arg4[%add3A_366, %dma_start3A_373] : memref<819200x64xf32, #tpu.memory_space<hbm>> -> memref<128x64xf32, #tpu.memory_space<hbm>>
      %dma_start3A_375 = tpu.memref_slice %arg8[%dma_start3A_368] : memref<10x!tpu.dma_semaphore, #tpu.memory_space<semaphore_mem>> -> memref<1x!tpu.dma_semaphore, #tpu.memory_space<semaphore_mem>>
      %dma_start3A_376 = tpu.memref_squeeze %dma_start3A_375 : memref<1x!tpu.dma_semaphore, #tpu.memory_space<semaphore_mem>> -> memref<!tpu.dma_semaphore, #tpu.memory_space<semaphore_mem>>
      %dma_start3A_377 = arith.constant 0 : i32
      %dma_start3A_378 = tpu.memref_slice %arg4[%add3A_366, %dma_start3A_377] : memref<819200x64xf32, #tpu.memory_space<hbm>> -> memref<128x64xf32, #tpu.memory_space<hbm>>
      %dma_start3A_379 = arith.constant 0 : i32
      %dma_start3A_380 = arith.constant 0 : i32
      %dma_start3A_381 = tpu.memref_slice %arg6[%dma_start3A_367, %dma_start3A_379, %dma_start3A_380] : memref<10x128x64xf32, #tpu.memory_space<vmem>> -> memref<1x128x64xf32, #tpu.memory_space<vmem>>
      %dma_start3A_382 = tpu.memref_squeeze %dma_start3A_381 : memref<1x128x64xf32, #tpu.memory_space<vmem>> -> memref<128x64xf32, #tpu.memory_space<vmem>>
      tpu.enqueue_dma source(%dma_start3A_382 : memref<128x64xf32, #tpu.memory_space<vmem>>) target(%dma_start3A_378 : memref<128x64xf32, #tpu.memory_space<hbm>>) target_semaphore(%dma_start3A_376 : memref<!tpu.dma_semaphore, #tpu.memory_space<semaphore_mem>>)
      %add3A_383 = arith.constant 5 : i32
      %add3A_384 = arith.addi %add3A_348, %add3A_383 : i32
      %lt3A_385 = arith.constant 200 : i32
      %lt3A_386 = arith.cmpi slt, %add3A_384, %lt3A_385 : i32
      %convert_element_type3A_387 = arith.extui %lt3A_386 : i1 to i32
      %cond3A_388 = arith.constant 0 : i32
      %cond3A_389 = arith.cmpi ne, %convert_element_type3A_387, %cond3A_388 : i32
      scf.if %cond3A_389 {
        %ge3A = arith.constant 10 : i32
        %ge3A_691 = arith.cmpi sge, %add3A_384, %ge3A : i32
        %convert_element_type3A_692 = arith.extui %ge3A_691 : i1 to i32
        %cond3A_693 = arith.constant 0 : i32
        %cond3A_694 = arith.cmpi ne, %convert_element_type3A_692, %cond3A_693 : i32
        scf.if %cond3A_694 {
          %dma_wait3A_709 = arith.constant 7 : i32
          %dma_wait3A_710 = arith.constant 7 : i32
          %dma_wait3A_711 = arith.constant 0 : i32
          %dma_wait3A_712 = arith.constant 0 : i32
          %dma_wait3A_713 = tpu.memref_slice %arg6[%dma_wait3A_709, %dma_wait3A_711, %dma_wait3A_712] : memref<10x128x64xf32, #tpu.memory_space<vmem>> -> memref<1x128x64xf32, #tpu.memory_space<vmem>>
          %dma_wait3A_714 = tpu.memref_squeeze %dma_wait3A_713 : memref<1x128x64xf32, #tpu.memory_space<vmem>> -> memref<128x64xf32, #tpu.memory_space<vmem>>
          %dma_wait3A_715 = arith.constant 0 : i32
          %dma_wait3A_716 = arith.constant 0 : i32
          %dma_wait3A_717 = tpu.memref_slice %arg4[%dma_wait3A_715, %dma_wait3A_716] : memref<819200x64xf32, #tpu.memory_space<hbm>> -> memref<128x64xf32, #tpu.memory_space<hbm>>
          %dma_wait3A_718 = tpu.memref_slice %arg8[%dma_wait3A_710] : memref<10x!tpu.dma_semaphore, #tpu.memory_space<semaphore_mem>> -> memref<1x!tpu.dma_semaphore, #tpu.memory_space<semaphore_mem>>
          %dma_wait3A_719 = tpu.memref_squeeze %dma_wait3A_718 : memref<1x!tpu.dma_semaphore, #tpu.memory_space<semaphore_mem>> -> memref<!tpu.dma_semaphore, #tpu.memory_space<semaphore_mem>>
          %dma_wait3A_720 = arith.constant 0 : i32
          %dma_wait3A_721 = arith.constant 0 : i32
          %dma_wait3A_722 = tpu.memref_slice %arg4[%dma_wait3A_720, %dma_wait3A_721] : memref<819200x64xf32, #tpu.memory_space<hbm>> -> memref<128x64xf32, #tpu.memory_space<hbm>>
          %dma_wait3A_723 = arith.constant 0 : i32
          %dma_wait3A_724 = arith.constant 0 : i32
          %dma_wait3A_725 = tpu.memref_slice %arg6[%dma_wait3A_709, %dma_wait3A_723, %dma_wait3A_724] : memref<10x128x64xf32, #tpu.memory_space<vmem>> -> memref<1x128x64xf32, #tpu.memory_space<vmem>>
          %dma_wait3A_726 = tpu.memref_squeeze %dma_wait3A_725 : memref<1x128x64xf32, #tpu.memory_space<vmem>> -> memref<128x64xf32, #tpu.memory_space<vmem>>
          tpu.wait_dma2 semaphore(%dma_wait3A_719 : memref<!tpu.dma_semaphore, #tpu.memory_space<semaphore_mem>>) src(%dma_wait3A_726 : memref<128x64xf32, #tpu.memory_space<vmem>>) dst(%dma_wait3A_722 : memref<128x64xf32, #tpu.memory_space<hbm>>)
        } else {
        }
        %dma_start3A_695 = arith.constant 7 : i32
        %dma_start3A_696 = arith.constant 7 : i32
        %dma_start3A_697 = arith.constant 0 : i32
        %dma_start3A_698 = arith.constant 0 : i32
        %dma_start3A_699 = tpu.memref_slice %arg6[%dma_start3A_695, %dma_start3A_697, %dma_start3A_698] : memref<10x128x64xf32, #tpu.memory_space<vmem>> -> memref<1x128x64xf32, #tpu.memory_space<vmem>>
        %dma_start3A_700 = tpu.memref_squeeze %dma_start3A_699 : memref<1x128x64xf32, #tpu.memory_space<vmem>> -> memref<128x64xf32, #tpu.memory_space<vmem>>
        %dma_start3A_701 = arith.constant 0 : i32
        %dma_start3A_702 = tpu.memref_slice %arg5[%add3A_384, %dma_start3A_701] : memref<200x128xi32, #tpu.memory_space<vmem>> -> memref<1x128xi32, #tpu.memory_space<vmem>>
        %dma_start3A_703 = tpu.memref_squeeze %dma_start3A_702 : memref<1x128xi32, #tpu.memory_space<vmem>> -> memref<128xi32, #tpu.memory_space<vmem>>
        %dma_start3A_704 = arith.constant 0 : i32
        %dma_start3A_705 = arith.constant 0 : i32
        %dma_start3A_706 = tpu.memref_slice %arg3[%dma_start3A_704, %dma_start3A_705] : memref<1000001x64xf32, #tpu.memory_space<hbm>> -> memref<1000001x64xf32, #tpu.memory_space<hbm>>
        %dma_start3A_707 = tpu.memref_slice %arg7[%dma_start3A_696] : memref<10x!tpu.dma_semaphore, #tpu.memory_space<semaphore_mem>> -> memref<1x!tpu.dma_semaphore, #tpu.memory_space<semaphore_mem>>
        %dma_start3A_708 = tpu.memref_squeeze %dma_start3A_707 : memref<1x!tpu.dma_semaphore, #tpu.memory_space<semaphore_mem>> -> memref<!tpu.dma_semaphore, #tpu.memory_space<semaphore_mem>>
        tpu.enqueue_indirect_dma source(%dma_start3A_706 : memref<1000001x64xf32, #tpu.memory_space<hbm>>) target(%dma_start3A_700 : memref<128x64xf32, #tpu.memory_space<vmem>>) offsets(%dma_start3A_703 : memref<128xi32, #tpu.memory_space<vmem>>) semaphore(%dma_start3A_708 : memref<!tpu.dma_semaphore, #tpu.memory_space<semaphore_mem>>)
      } else {
      }
      %add3A_390 = arith.constant 3 : i32
      %add3A_391 = arith.addi %mul3A_263, %add3A_390 : i32
      %dma_wait3A_392 = arith.constant 0 : i32
      %dma_wait3A_393 = arith.constant 3 : i32
      %dma_wait3A_394 = arith.constant 3 : i32
      %dma_wait3A_395 = arith.constant 0 : i32
      %dma_wait3A_396 = arith.constant 0 : i32
      %dma_wait3A_397 = tpu.memref_slice %arg6[%dma_wait3A_393, %dma_wait3A_395, %dma_wait3A_396] : memref<10x128x64xf32, #tpu.memory_space<vmem>> -> memref<1x128x64xf32, #tpu.memory_space<vmem>>
      %dma_wait3A_398 = tpu.memref_squeeze %dma_wait3A_397 : memref<1x128x64xf32, #tpu.memory_space<vmem>> -> memref<128x64xf32, #tpu.memory_space<vmem>>
      %dma_wait3A_399 = arith.constant 0 : i32
      %dma_wait3A_400 = tpu.memref_slice %arg5[%dma_wait3A_392, %dma_wait3A_399] : memref<200x128xi32, #tpu.memory_space<vmem>> -> memref<1x128xi32, #tpu.memory_space<vmem>>
      %dma_wait3A_401 = tpu.memref_squeeze %dma_wait3A_400 : memref<1x128xi32, #tpu.memory_space<vmem>> -> memref<128xi32, #tpu.memory_space<vmem>>
      %dma_wait3A_402 = arith.constant 0 : i32
      %dma_wait3A_403 = arith.constant 0 : i32
      %dma_wait3A_404 = tpu.memref_slice %arg3[%dma_wait3A_402, %dma_wait3A_403] : memref<1000001x64xf32, #tpu.memory_space<hbm>> -> memref<1000001x64xf32, #tpu.memory_space<hbm>>
      %dma_wait3A_405 = tpu.memref_slice %arg7[%dma_wait3A_394] : memref<10x!tpu.dma_semaphore, #tpu.memory_space<semaphore_mem>> -> memref<1x!tpu.dma_semaphore, #tpu.memory_space<semaphore_mem>>
      %dma_wait3A_406 = tpu.memref_squeeze %dma_wait3A_405 : memref<1x!tpu.dma_semaphore, #tpu.memory_space<semaphore_mem>> -> memref<!tpu.dma_semaphore, #tpu.memory_space<semaphore_mem>>
      tpu.wait_indirect_dma semaphore(%dma_wait3A_406 : memref<!tpu.dma_semaphore, #tpu.memory_space<semaphore_mem>>) src(%dma_wait3A_404 : memref<1000001x64xf32, #tpu.memory_space<hbm>>) dst(%dma_wait3A_398 : memref<128x64xf32, #tpu.memory_space<vmem>>)
      %mul3A_407 = arith.constant 128 : i32
      %mul3A_408 = arith.muli %add3A_391, %mul3A_407 : i32
      %add3A_409 = arith.addi %mul3A_2, %mul3A_408 : i32
      %dma_start3A_410 = arith.constant 3 : i32
      %dma_start3A_411 = arith.constant 3 : i32
      %dma_start3A_412 = arith.constant 0 : i32
      %dma_start3A_413 = arith.constant 0 : i32
      %dma_start3A_414 = tpu.memref_slice %arg6[%dma_start3A_410, %dma_start3A_412, %dma_start3A_413] : memref<10x128x64xf32, #tpu.memory_space<vmem>> -> memref<1x128x64xf32, #tpu.memory_space<vmem>>
      %dma_start3A_415 = tpu.memref_squeeze %dma_start3A_414 : memref<1x128x64xf32, #tpu.memory_space<vmem>> -> memref<128x64xf32, #tpu.memory_space<vmem>>
      %dma_start3A_416 = arith.constant 0 : i32
      %dma_start3A_417 = tpu.memref_slice %arg4[%add3A_409, %dma_start3A_416] : memref<819200x64xf32, #tpu.memory_space<hbm>> -> memref<128x64xf32, #tpu.memory_space<hbm>>
      %dma_start3A_418 = tpu.memref_slice %arg8[%dma_start3A_411] : memref<10x!tpu.dma_semaphore, #tpu.memory_space<semaphore_mem>> -> memref<1x!tpu.dma_semaphore, #tpu.memory_space<semaphore_mem>>
      %dma_start3A_419 = tpu.memref_squeeze %dma_start3A_418 : memref<1x!tpu.dma_semaphore, #tpu.memory_space<semaphore_mem>> -> memref<!tpu.dma_semaphore, #tpu.memory_space<semaphore_mem>>
      %dma_start3A_420 = arith.constant 0 : i32
      %dma_start3A_421 = tpu.memref_slice %arg4[%add3A_409, %dma_start3A_420] : memref<819200x64xf32, #tpu.memory_space<hbm>> -> memref<128x64xf32, #tpu.memory_space<hbm>>
      %dma_start3A_422 = arith.constant 0 : i32
      %dma_start3A_423 = arith.constant 0 : i32
      %dma_start3A_424 = tpu.memref_slice %arg6[%dma_start3A_410, %dma_start3A_422, %dma_start3A_423] : memref<10x128x64xf32, #tpu.memory_space<vmem>> -> memref<1x128x64xf32, #tpu.memory_space<vmem>>
      %dma_start3A_425 = tpu.memref_squeeze %dma_start3A_424 : memref<1x128x64xf32, #tpu.memory_space<vmem>> -> memref<128x64xf32, #tpu.memory_space<vmem>>
      tpu.enqueue_dma source(%dma_start3A_425 : memref<128x64xf32, #tpu.memory_space<vmem>>) target(%dma_start3A_421 : memref<128x64xf32, #tpu.memory_space<hbm>>) target_semaphore(%dma_start3A_419 : memref<!tpu.dma_semaphore, #tpu.memory_space<semaphore_mem>>)
      %add3A_426 = arith.constant 5 : i32
      %add3A_427 = arith.addi %add3A_391, %add3A_426 : i32
      %lt3A_428 = arith.constant 200 : i32
      %lt3A_429 = arith.cmpi slt, %add3A_427, %lt3A_428 : i32
      %convert_element_type3A_430 = arith.extui %lt3A_429 : i1 to i32
      %cond3A_431 = arith.constant 0 : i32
      %cond3A_432 = arith.cmpi ne, %convert_element_type3A_430, %cond3A_431 : i32
      scf.if %cond3A_432 {
        %ge3A = arith.constant 10 : i32
        %ge3A_691 = arith.cmpi sge, %add3A_427, %ge3A : i32
        %convert_element_type3A_692 = arith.extui %ge3A_691 : i1 to i32
        %cond3A_693 = arith.constant 0 : i32
        %cond3A_694 = arith.cmpi ne, %convert_element_type3A_692, %cond3A_693 : i32
        scf.if %cond3A_694 {
          %dma_wait3A_709 = arith.constant 8 : i32
          %dma_wait3A_710 = arith.constant 8 : i32
          %dma_wait3A_711 = arith.constant 0 : i32
          %dma_wait3A_712 = arith.constant 0 : i32
          %dma_wait3A_713 = tpu.memref_slice %arg6[%dma_wait3A_709, %dma_wait3A_711, %dma_wait3A_712] : memref<10x128x64xf32, #tpu.memory_space<vmem>> -> memref<1x128x64xf32, #tpu.memory_space<vmem>>
          %dma_wait3A_714 = tpu.memref_squeeze %dma_wait3A_713 : memref<1x128x64xf32, #tpu.memory_space<vmem>> -> memref<128x64xf32, #tpu.memory_space<vmem>>
          %dma_wait3A_715 = arith.constant 0 : i32
          %dma_wait3A_716 = arith.constant 0 : i32
          %dma_wait3A_717 = tpu.memref_slice %arg4[%dma_wait3A_715, %dma_wait3A_716] : memref<819200x64xf32, #tpu.memory_space<hbm>> -> memref<128x64xf32, #tpu.memory_space<hbm>>
          %dma_wait3A_718 = tpu.memref_slice %arg8[%dma_wait3A_710] : memref<10x!tpu.dma_semaphore, #tpu.memory_space<semaphore_mem>> -> memref<1x!tpu.dma_semaphore, #tpu.memory_space<semaphore_mem>>
          %dma_wait3A_719 = tpu.memref_squeeze %dma_wait3A_718 : memref<1x!tpu.dma_semaphore, #tpu.memory_space<semaphore_mem>> -> memref<!tpu.dma_semaphore, #tpu.memory_space<semaphore_mem>>
          %dma_wait3A_720 = arith.constant 0 : i32
          %dma_wait3A_721 = arith.constant 0 : i32
          %dma_wait3A_722 = tpu.memref_slice %arg4[%dma_wait3A_720, %dma_wait3A_721] : memref<819200x64xf32, #tpu.memory_space<hbm>> -> memref<128x64xf32, #tpu.memory_space<hbm>>
          %dma_wait3A_723 = arith.constant 0 : i32
          %dma_wait3A_724 = arith.constant 0 : i32
          %dma_wait3A_725 = tpu.memref_slice %arg6[%dma_wait3A_709, %dma_wait3A_723, %dma_wait3A_724] : memref<10x128x64xf32, #tpu.memory_space<vmem>> -> memref<1x128x64xf32, #tpu.memory_space<vmem>>
          %dma_wait3A_726 = tpu.memref_squeeze %dma_wait3A_725 : memref<1x128x64xf32, #tpu.memory_space<vmem>> -> memref<128x64xf32, #tpu.memory_space<vmem>>
          tpu.wait_dma2 semaphore(%dma_wait3A_719 : memref<!tpu.dma_semaphore, #tpu.memory_space<semaphore_mem>>) src(%dma_wait3A_726 : memref<128x64xf32, #tpu.memory_space<vmem>>) dst(%dma_wait3A_722 : memref<128x64xf32, #tpu.memory_space<hbm>>)
        } else {
        }
        %dma_start3A_695 = arith.constant 8 : i32
        %dma_start3A_696 = arith.constant 8 : i32
        %dma_start3A_697 = arith.constant 0 : i32
        %dma_start3A_698 = arith.constant 0 : i32
        %dma_start3A_699 = tpu.memref_slice %arg6[%dma_start3A_695, %dma_start3A_697, %dma_start3A_698] : memref<10x128x64xf32, #tpu.memory_space<vmem>> -> memref<1x128x64xf32, #tpu.memory_space<vmem>>
        %dma_start3A_700 = tpu.memref_squeeze %dma_start3A_699 : memref<1x128x64xf32, #tpu.memory_space<vmem>> -> memref<128x64xf32, #tpu.memory_space<vmem>>
        %dma_start3A_701 = arith.constant 0 : i32
        %dma_start3A_702 = tpu.memref_slice %arg5[%add3A_427, %dma_start3A_701] : memref<200x128xi32, #tpu.memory_space<vmem>> -> memref<1x128xi32, #tpu.memory_space<vmem>>
        %dma_start3A_703 = tpu.memref_squeeze %dma_start3A_702 : memref<1x128xi32, #tpu.memory_space<vmem>> -> memref<128xi32, #tpu.memory_space<vmem>>
        %dma_start3A_704 = arith.constant 0 : i32
        %dma_start3A_705 = arith.constant 0 : i32
        %dma_start3A_706 = tpu.memref_slice %arg3[%dma_start3A_704, %dma_start3A_705] : memref<1000001x64xf32, #tpu.memory_space<hbm>> -> memref<1000001x64xf32, #tpu.memory_space<hbm>>
        %dma_start3A_707 = tpu.memref_slice %arg7[%dma_start3A_696] : memref<10x!tpu.dma_semaphore, #tpu.memory_space<semaphore_mem>> -> memref<1x!tpu.dma_semaphore, #tpu.memory_space<semaphore_mem>>
        %dma_start3A_708 = tpu.memref_squeeze %dma_start3A_707 : memref<1x!tpu.dma_semaphore, #tpu.memory_space<semaphore_mem>> -> memref<!tpu.dma_semaphore, #tpu.memory_space<semaphore_mem>>
        tpu.enqueue_indirect_dma source(%dma_start3A_706 : memref<1000001x64xf32, #tpu.memory_space<hbm>>) target(%dma_start3A_700 : memref<128x64xf32, #tpu.memory_space<vmem>>) offsets(%dma_start3A_703 : memref<128xi32, #tpu.memory_space<vmem>>) semaphore(%dma_start3A_708 : memref<!tpu.dma_semaphore, #tpu.memory_space<semaphore_mem>>)
      } else {
      }
      %add3A_433 = arith.constant 4 : i32
      %add3A_434 = arith.addi %mul3A_263, %add3A_433 : i32
      %dma_wait3A_435 = arith.constant 0 : i32
      %dma_wait3A_436 = arith.constant 4 : i32
      %dma_wait3A_437 = arith.constant 4 : i32
      %dma_wait3A_438 = arith.constant 0 : i32
      %dma_wait3A_439 = arith.constant 0 : i32
      %dma_wait3A_440 = tpu.memref_slice %arg6[%dma_wait3A_436, %dma_wait3A_438, %dma_wait3A_439] : memref<10x128x64xf32, #tpu.memory_space<vmem>> -> memref<1x128x64xf32, #tpu.memory_space<vmem>>
      %dma_wait3A_441 = tpu.memref_squeeze %dma_wait3A_440 : memref<1x128x64xf32, #tpu.memory_space<vmem>> -> memref<128x64xf32, #tpu.memory_space<vmem>>
      %dma_wait3A_442 = arith.constant 0 : i32
      %dma_wait3A_443 = tpu.memref_slice %arg5[%dma_wait3A_435, %dma_wait3A_442] : memref<200x128xi32, #tpu.memory_space<vmem>> -> memref<1x128xi32, #tpu.memory_space<vmem>>
      %dma_wait3A_444 = tpu.memref_squeeze %dma_wait3A_443 : memref<1x128xi32, #tpu.memory_space<vmem>> -> memref<128xi32, #tpu.memory_space<vmem>>
      %dma_wait3A_445 = arith.constant 0 : i32
      %dma_wait3A_446 = arith.constant 0 : i32
      %dma_wait3A_447 = tpu.memref_slice %arg3[%dma_wait3A_445, %dma_wait3A_446] : memref<1000001x64xf32, #tpu.memory_space<hbm>> -> memref<1000001x64xf32, #tpu.memory_space<hbm>>
      %dma_wait3A_448 = tpu.memref_slice %arg7[%dma_wait3A_437] : memref<10x!tpu.dma_semaphore, #tpu.memory_space<semaphore_mem>> -> memref<1x!tpu.dma_semaphore, #tpu.memory_space<semaphore_mem>>
      %dma_wait3A_449 = tpu.memref_squeeze %dma_wait3A_448 : memref<1x!tpu.dma_semaphore, #tpu.memory_space<semaphore_mem>> -> memref<!tpu.dma_semaphore, #tpu.memory_space<semaphore_mem>>
      tpu.wait_indirect_dma semaphore(%dma_wait3A_449 : memref<!tpu.dma_semaphore, #tpu.memory_space<semaphore_mem>>) src(%dma_wait3A_447 : memref<1000001x64xf32, #tpu.memory_space<hbm>>) dst(%dma_wait3A_441 : memref<128x64xf32, #tpu.memory_space<vmem>>)
      %mul3A_450 = arith.constant 128 : i32
      %mul3A_451 = arith.muli %add3A_434, %mul3A_450 : i32
      %add3A_452 = arith.addi %mul3A_2, %mul3A_451 : i32
      %dma_start3A_453 = arith.constant 4 : i32
      %dma_start3A_454 = arith.constant 4 : i32
      %dma_start3A_455 = arith.constant 0 : i32
      %dma_start3A_456 = arith.constant 0 : i32
      %dma_start3A_457 = tpu.memref_slice %arg6[%dma_start3A_453, %dma_start3A_455, %dma_start3A_456] : memref<10x128x64xf32, #tpu.memory_space<vmem>> -> memref<1x128x64xf32, #tpu.memory_space<vmem>>
      %dma_start3A_458 = tpu.memref_squeeze %dma_start3A_457 : memref<1x128x64xf32, #tpu.memory_space<vmem>> -> memref<128x64xf32, #tpu.memory_space<vmem>>
      %dma_start3A_459 = arith.constant 0 : i32
      %dma_start3A_460 = tpu.memref_slice %arg4[%add3A_452, %dma_start3A_459] : memref<819200x64xf32, #tpu.memory_space<hbm>> -> memref<128x64xf32, #tpu.memory_space<hbm>>
      %dma_start3A_461 = tpu.memref_slice %arg8[%dma_start3A_454] : memref<10x!tpu.dma_semaphore, #tpu.memory_space<semaphore_mem>> -> memref<1x!tpu.dma_semaphore, #tpu.memory_space<semaphore_mem>>
      %dma_start3A_462 = tpu.memref_squeeze %dma_start3A_461 : memref<1x!tpu.dma_semaphore, #tpu.memory_space<semaphore_mem>> -> memref<!tpu.dma_semaphore, #tpu.memory_space<semaphore_mem>>
      %dma_start3A_463 = arith.constant 0 : i32
      %dma_start3A_464 = tpu.memref_slice %arg4[%add3A_452, %dma_start3A_463] : memref<819200x64xf32, #tpu.memory_space<hbm>> -> memref<128x64xf32, #tpu.memory_space<hbm>>
      %dma_start3A_465 = arith.constant 0 : i32
      %dma_start3A_466 = arith.constant 0 : i32
      %dma_start3A_467 = tpu.memref_slice %arg6[%dma_start3A_453, %dma_start3A_465, %dma_start3A_466] : memref<10x128x64xf32, #tpu.memory_space<vmem>> -> memref<1x128x64xf32, #tpu.memory_space<vmem>>
      %dma_start3A_468 = tpu.memref_squeeze %dma_start3A_467 : memref<1x128x64xf32, #tpu.memory_space<vmem>> -> memref<128x64xf32, #tpu.memory_space<vmem>>
      tpu.enqueue_dma source(%dma_start3A_468 : memref<128x64xf32, #tpu.memory_space<vmem>>) target(%dma_start3A_464 : memref<128x64xf32, #tpu.memory_space<hbm>>) target_semaphore(%dma_start3A_462 : memref<!tpu.dma_semaphore, #tpu.memory_space<semaphore_mem>>)
      %add3A_469 = arith.constant 5 : i32
      %add3A_470 = arith.addi %add3A_434, %add3A_469 : i32
      %lt3A_471 = arith.constant 200 : i32
      %lt3A_472 = arith.cmpi slt, %add3A_470, %lt3A_471 : i32
      %convert_element_type3A_473 = arith.extui %lt3A_472 : i1 to i32
      %cond3A_474 = arith.constant 0 : i32
      %cond3A_475 = arith.cmpi ne, %convert_element_type3A_473, %cond3A_474 : i32
      scf.if %cond3A_475 {
        %ge3A = arith.constant 10 : i32
        %ge3A_691 = arith.cmpi sge, %add3A_470, %ge3A : i32
        %convert_element_type3A_692 = arith.extui %ge3A_691 : i1 to i32
        %cond3A_693 = arith.constant 0 : i32
        %cond3A_694 = arith.cmpi ne, %convert_element_type3A_692, %cond3A_693 : i32
        scf.if %cond3A_694 {
          %dma_wait3A_709 = arith.constant 9 : i32
          %dma_wait3A_710 = arith.constant 9 : i32
          %dma_wait3A_711 = arith.constant 0 : i32
          %dma_wait3A_712 = arith.constant 0 : i32
          %dma_wait3A_713 = tpu.memref_slice %arg6[%dma_wait3A_709, %dma_wait3A_711, %dma_wait3A_712] : memref<10x128x64xf32, #tpu.memory_space<vmem>> -> memref<1x128x64xf32, #tpu.memory_space<vmem>>
          %dma_wait3A_714 = tpu.memref_squeeze %dma_wait3A_713 : memref<1x128x64xf32, #tpu.memory_space<vmem>> -> memref<128x64xf32, #tpu.memory_space<vmem>>
          %dma_wait3A_715 = arith.constant 0 : i32
          %dma_wait3A_716 = arith.constant 0 : i32
          %dma_wait3A_717 = tpu.memref_slice %arg4[%dma_wait3A_715, %dma_wait3A_716] : memref<819200x64xf32, #tpu.memory_space<hbm>> -> memref<128x64xf32, #tpu.memory_space<hbm>>
          %dma_wait3A_718 = tpu.memref_slice %arg8[%dma_wait3A_710] : memref<10x!tpu.dma_semaphore, #tpu.memory_space<semaphore_mem>> -> memref<1x!tpu.dma_semaphore, #tpu.memory_space<semaphore_mem>>
          %dma_wait3A_719 = tpu.memref_squeeze %dma_wait3A_718 : memref<1x!tpu.dma_semaphore, #tpu.memory_space<semaphore_mem>> -> memref<!tpu.dma_semaphore, #tpu.memory_space<semaphore_mem>>
          %dma_wait3A_720 = arith.constant 0 : i32
          %dma_wait3A_721 = arith.constant 0 : i32
          %dma_wait3A_722 = tpu.memref_slice %arg4[%dma_wait3A_720, %dma_wait3A_721] : memref<819200x64xf32, #tpu.memory_space<hbm>> -> memref<128x64xf32, #tpu.memory_space<hbm>>
          %dma_wait3A_723 = arith.constant 0 : i32
          %dma_wait3A_724 = arith.constant 0 : i32
          %dma_wait3A_725 = tpu.memref_slice %arg6[%dma_wait3A_709, %dma_wait3A_723, %dma_wait3A_724] : memref<10x128x64xf32, #tpu.memory_space<vmem>> -> memref<1x128x64xf32, #tpu.memory_space<vmem>>
          %dma_wait3A_726 = tpu.memref_squeeze %dma_wait3A_725 : memref<1x128x64xf32, #tpu.memory_space<vmem>> -> memref<128x64xf32, #tpu.memory_space<vmem>>
          tpu.wait_dma2 semaphore(%dma_wait3A_719 : memref<!tpu.dma_semaphore, #tpu.memory_space<semaphore_mem>>) src(%dma_wait3A_726 : memref<128x64xf32, #tpu.memory_space<vmem>>) dst(%dma_wait3A_722 : memref<128x64xf32, #tpu.memory_space<hbm>>)
        } else {
        }
        %dma_start3A_695 = arith.constant 9 : i32
        %dma_start3A_696 = arith.constant 9 : i32
        %dma_start3A_697 = arith.constant 0 : i32
        %dma_start3A_698 = arith.constant 0 : i32
        %dma_start3A_699 = tpu.memref_slice %arg6[%dma_start3A_695, %dma_start3A_697, %dma_start3A_698] : memref<10x128x64xf32, #tpu.memory_space<vmem>> -> memref<1x128x64xf32, #tpu.memory_space<vmem>>
        %dma_start3A_700 = tpu.memref_squeeze %dma_start3A_699 : memref<1x128x64xf32, #tpu.memory_space<vmem>> -> memref<128x64xf32, #tpu.memory_space<vmem>>
        %dma_start3A_701 = arith.constant 0 : i32
        %dma_start3A_702 = tpu.memref_slice %arg5[%add3A_470, %dma_start3A_701] : memref<200x128xi32, #tpu.memory_space<vmem>> -> memref<1x128xi32, #tpu.memory_space<vmem>>
        %dma_start3A_703 = tpu.memref_squeeze %dma_start3A_702 : memref<1x128xi32, #tpu.memory_space<vmem>> -> memref<128xi32, #tpu.memory_space<vmem>>
        %dma_start3A_704 = arith.constant 0 : i32
        %dma_start3A_705 = arith.constant 0 : i32
        %dma_start3A_706 = tpu.memref_slice %arg3[%dma_start3A_704, %dma_start3A_705] : memref<1000001x64xf32, #tpu.memory_space<hbm>> -> memref<1000001x64xf32, #tpu.memory_space<hbm>>
        %dma_start3A_707 = tpu.memref_slice %arg7[%dma_start3A_696] : memref<10x!tpu.dma_semaphore, #tpu.memory_space<semaphore_mem>> -> memref<1x!tpu.dma_semaphore, #tpu.memory_space<semaphore_mem>>
        %dma_start3A_708 = tpu.memref_squeeze %dma_start3A_707 : memref<1x!tpu.dma_semaphore, #tpu.memory_space<semaphore_mem>> -> memref<!tpu.dma_semaphore, #tpu.memory_space<semaphore_mem>>
        tpu.enqueue_indirect_dma source(%dma_start3A_706 : memref<1000001x64xf32, #tpu.memory_space<hbm>>) target(%dma_start3A_700 : memref<128x64xf32, #tpu.memory_space<vmem>>) offsets(%dma_start3A_703 : memref<128xi32, #tpu.memory_space<vmem>>) semaphore(%dma_start3A_708 : memref<!tpu.dma_semaphore, #tpu.memory_space<semaphore_mem>>)
      } else {
      }
      %add3A_476 = arith.constant 5 : i32
      %add3A_477 = arith.addi %mul3A_263, %add3A_476 : i32
      %dma_wait3A_478 = arith.constant 0 : i32
      %dma_wait3A_479 = arith.constant 5 : i32
      %dma_wait3A_480 = arith.constant 5 : i32
      %dma_wait3A_481 = arith.constant 0 : i32
      %dma_wait3A_482 = arith.constant 0 : i32
      %dma_wait3A_483 = tpu.memref_slice %arg6[%dma_wait3A_479, %dma_wait3A_481, %dma_wait3A_482] : memref<10x128x64xf32, #tpu.memory_space<vmem>> -> memref<1x128x64xf32, #tpu.memory_space<vmem>>
      %dma_wait3A_484 = tpu.memref_squeeze %dma_wait3A_483 : memref<1x128x64xf32, #tpu.memory_space<vmem>> -> memref<128x64xf32, #tpu.memory_space<vmem>>
      %dma_wait3A_485 = arith.constant 0 : i32
      %dma_wait3A_486 = tpu.memref_slice %arg5[%dma_wait3A_478, %dma_wait3A_485] : memref<200x128xi32, #tpu.memory_space<vmem>> -> memref<1x128xi32, #tpu.memory_space<vmem>>
      %dma_wait3A_487 = tpu.memref_squeeze %dma_wait3A_486 : memref<1x128xi32, #tpu.memory_space<vmem>> -> memref<128xi32, #tpu.memory_space<vmem>>
      %dma_wait3A_488 = arith.constant 0 : i32
      %dma_wait3A_489 = arith.constant 0 : i32
      %dma_wait3A_490 = tpu.memref_slice %arg3[%dma_wait3A_488, %dma_wait3A_489] : memref<1000001x64xf32, #tpu.memory_space<hbm>> -> memref<1000001x64xf32, #tpu.memory_space<hbm>>
      %dma_wait3A_491 = tpu.memref_slice %arg7[%dma_wait3A_480] : memref<10x!tpu.dma_semaphore, #tpu.memory_space<semaphore_mem>> -> memref<1x!tpu.dma_semaphore, #tpu.memory_space<semaphore_mem>>
      %dma_wait3A_492 = tpu.memref_squeeze %dma_wait3A_491 : memref<1x!tpu.dma_semaphore, #tpu.memory_space<semaphore_mem>> -> memref<!tpu.dma_semaphore, #tpu.memory_space<semaphore_mem>>
      tpu.wait_indirect_dma semaphore(%dma_wait3A_492 : memref<!tpu.dma_semaphore, #tpu.memory_space<semaphore_mem>>) src(%dma_wait3A_490 : memref<1000001x64xf32, #tpu.memory_space<hbm>>) dst(%dma_wait3A_484 : memref<128x64xf32, #tpu.memory_space<vmem>>)
      %mul3A_493 = arith.constant 128 : i32
      %mul3A_494 = arith.muli %add3A_477, %mul3A_493 : i32
      %add3A_495 = arith.addi %mul3A_2, %mul3A_494 : i32
      %dma_start3A_496 = arith.constant 5 : i32
      %dma_start3A_497 = arith.constant 5 : i32
      %dma_start3A_498 = arith.constant 0 : i32
      %dma_start3A_499 = arith.constant 0 : i32
      %dma_start3A_500 = tpu.memref_slice %arg6[%dma_start3A_496, %dma_start3A_498, %dma_start3A_499] : memref<10x128x64xf32, #tpu.memory_space<vmem>> -> memref<1x128x64xf32, #tpu.memory_space<vmem>>
      %dma_start3A_501 = tpu.memref_squeeze %dma_start3A_500 : memref<1x128x64xf32, #tpu.memory_space<vmem>> -> memref<128x64xf32, #tpu.memory_space<vmem>>
      %dma_start3A_502 = arith.constant 0 : i32
      %dma_start3A_503 = tpu.memref_slice %arg4[%add3A_495, %dma_start3A_502] : memref<819200x64xf32, #tpu.memory_space<hbm>> -> memref<128x64xf32, #tpu.memory_space<hbm>>
      %dma_start3A_504 = tpu.memref_slice %arg8[%dma_start3A_497] : memref<10x!tpu.dma_semaphore, #tpu.memory_space<semaphore_mem>> -> memref<1x!tpu.dma_semaphore, #tpu.memory_space<semaphore_mem>>
      %dma_start3A_505 = tpu.memref_squeeze %dma_start3A_504 : memref<1x!tpu.dma_semaphore, #tpu.memory_space<semaphore_mem>> -> memref<!tpu.dma_semaphore, #tpu.memory_space<semaphore_mem>>
      %dma_start3A_506 = arith.constant 0 : i32
      %dma_start3A_507 = tpu.memref_slice %arg4[%add3A_495, %dma_start3A_506] : memref<819200x64xf32, #tpu.memory_space<hbm>> -> memref<128x64xf32, #tpu.memory_space<hbm>>
      %dma_start3A_508 = arith.constant 0 : i32
      %dma_start3A_509 = arith.constant 0 : i32
      %dma_start3A_510 = tpu.memref_slice %arg6[%dma_start3A_496, %dma_start3A_508, %dma_start3A_509] : memref<10x128x64xf32, #tpu.memory_space<vmem>> -> memref<1x128x64xf32, #tpu.memory_space<vmem>>
      %dma_start3A_511 = tpu.memref_squeeze %dma_start3A_510 : memref<1x128x64xf32, #tpu.memory_space<vmem>> -> memref<128x64xf32, #tpu.memory_space<vmem>>
      tpu.enqueue_dma source(%dma_start3A_511 : memref<128x64xf32, #tpu.memory_space<vmem>>) target(%dma_start3A_507 : memref<128x64xf32, #tpu.memory_space<hbm>>) target_semaphore(%dma_start3A_505 : memref<!tpu.dma_semaphore, #tpu.memory_space<semaphore_mem>>)
      %add3A_512 = arith.constant 5 : i32
      %add3A_513 = arith.addi %add3A_477, %add3A_512 : i32
      %lt3A_514 = arith.constant 200 : i32
      %lt3A_515 = arith.cmpi slt, %add3A_513, %lt3A_514 : i32
      %convert_element_type3A_516 = arith.extui %lt3A_515 : i1 to i32
      %cond3A_517 = arith.constant 0 : i32
      %cond3A_518 = arith.cmpi ne, %convert_element_type3A_516, %cond3A_517 : i32
      scf.if %cond3A_518 {
        %ge3A = arith.constant 10 : i32
        %ge3A_691 = arith.cmpi sge, %add3A_513, %ge3A : i32
        %convert_element_type3A_692 = arith.extui %ge3A_691 : i1 to i32
        %cond3A_693 = arith.constant 0 : i32
        %cond3A_694 = arith.cmpi ne, %convert_element_type3A_692, %cond3A_693 : i32
        scf.if %cond3A_694 {
          %dma_wait3A_709 = arith.constant 0 : i32
          %dma_wait3A_710 = arith.constant 0 : i32
          %dma_wait3A_711 = arith.constant 0 : i32
          %dma_wait3A_712 = arith.constant 0 : i32
          %dma_wait3A_713 = tpu.memref_slice %arg6[%dma_wait3A_709, %dma_wait3A_711, %dma_wait3A_712] : memref<10x128x64xf32, #tpu.memory_space<vmem>> -> memref<1x128x64xf32, #tpu.memory_space<vmem>>
          %dma_wait3A_714 = tpu.memref_squeeze %dma_wait3A_713 : memref<1x128x64xf32, #tpu.memory_space<vmem>> -> memref<128x64xf32, #tpu.memory_space<vmem>>
          %dma_wait3A_715 = arith.constant 0 : i32
          %dma_wait3A_716 = arith.constant 0 : i32
          %dma_wait3A_717 = tpu.memref_slice %arg4[%dma_wait3A_715, %dma_wait3A_716] : memref<819200x64xf32, #tpu.memory_space<hbm>> -> memref<128x64xf32, #tpu.memory_space<hbm>>
          %dma_wait3A_718 = tpu.memref_slice %arg8[%dma_wait3A_710] : memref<10x!tpu.dma_semaphore, #tpu.memory_space<semaphore_mem>> -> memref<1x!tpu.dma_semaphore, #tpu.memory_space<semaphore_mem>>
          %dma_wait3A_719 = tpu.memref_squeeze %dma_wait3A_718 : memref<1x!tpu.dma_semaphore, #tpu.memory_space<semaphore_mem>> -> memref<!tpu.dma_semaphore, #tpu.memory_space<semaphore_mem>>
          %dma_wait3A_720 = arith.constant 0 : i32
          %dma_wait3A_721 = arith.constant 0 : i32
          %dma_wait3A_722 = tpu.memref_slice %arg4[%dma_wait3A_720, %dma_wait3A_721] : memref<819200x64xf32, #tpu.memory_space<hbm>> -> memref<128x64xf32, #tpu.memory_space<hbm>>
          %dma_wait3A_723 = arith.constant 0 : i32
          %dma_wait3A_724 = arith.constant 0 : i32
          %dma_wait3A_725 = tpu.memref_slice %arg6[%dma_wait3A_709, %dma_wait3A_723, %dma_wait3A_724] : memref<10x128x64xf32, #tpu.memory_space<vmem>> -> memref<1x128x64xf32, #tpu.memory_space<vmem>>
          %dma_wait3A_726 = tpu.memref_squeeze %dma_wait3A_725 : memref<1x128x64xf32, #tpu.memory_space<vmem>> -> memref<128x64xf32, #tpu.memory_space<vmem>>
          tpu.wait_dma2 semaphore(%dma_wait3A_719 : memref<!tpu.dma_semaphore, #tpu.memory_space<semaphore_mem>>) src(%dma_wait3A_726 : memref<128x64xf32, #tpu.memory_space<vmem>>) dst(%dma_wait3A_722 : memref<128x64xf32, #tpu.memory_space<hbm>>)
        } else {
        }
        %dma_start3A_695 = arith.constant 0 : i32
        %dma_start3A_696 = arith.constant 0 : i32
        %dma_start3A_697 = arith.constant 0 : i32
        %dma_start3A_698 = arith.constant 0 : i32
        %dma_start3A_699 = tpu.memref_slice %arg6[%dma_start3A_695, %dma_start3A_697, %dma_start3A_698] : memref<10x128x64xf32, #tpu.memory_space<vmem>> -> memref<1x128x64xf32, #tpu.memory_space<vmem>>
        %dma_start3A_700 = tpu.memref_squeeze %dma_start3A_699 : memref<1x128x64xf32, #tpu.memory_space<vmem>> -> memref<128x64xf32, #tpu.memory_space<vmem>>
        %dma_start3A_701 = arith.constant 0 : i32
        %dma_start3A_702 = tpu.memref_slice %arg5[%add3A_513, %dma_start3A_701] : memref<200x128xi32, #tpu.memory_space<vmem>> -> memref<1x128xi32, #tpu.memory_space<vmem>>
        %dma_start3A_703 = tpu.memref_squeeze %dma_start3A_702 : memref<1x128xi32, #tpu.memory_space<vmem>> -> memref<128xi32, #tpu.memory_space<vmem>>
        %dma_start3A_704 = arith.constant 0 : i32
        %dma_start3A_705 = arith.constant 0 : i32
        %dma_start3A_706 = tpu.memref_slice %arg3[%dma_start3A_704, %dma_start3A_705] : memref<1000001x64xf32, #tpu.memory_space<hbm>> -> memref<1000001x64xf32, #tpu.memory_space<hbm>>
        %dma_start3A_707 = tpu.memref_slice %arg7[%dma_start3A_696] : memref<10x!tpu.dma_semaphore, #tpu.memory_space<semaphore_mem>> -> memref<1x!tpu.dma_semaphore, #tpu.memory_space<semaphore_mem>>
        %dma_start3A_708 = tpu.memref_squeeze %dma_start3A_707 : memref<1x!tpu.dma_semaphore, #tpu.memory_space<semaphore_mem>> -> memref<!tpu.dma_semaphore, #tpu.memory_space<semaphore_mem>>
        tpu.enqueue_indirect_dma source(%dma_start3A_706 : memref<1000001x64xf32, #tpu.memory_space<hbm>>) target(%dma_start3A_700 : memref<128x64xf32, #tpu.memory_space<vmem>>) offsets(%dma_start3A_703 : memref<128xi32, #tpu.memory_space<vmem>>) semaphore(%dma_start3A_708 : memref<!tpu.dma_semaphore, #tpu.memory_space<semaphore_mem>>)
      } else {
      }
      %add3A_519 = arith.constant 6 : i32
      %add3A_520 = arith.addi %mul3A_263, %add3A_519 : i32
      %dma_wait3A_521 = arith.constant 0 : i32
      %dma_wait3A_522 = arith.constant 6 : i32
      %dma_wait3A_523 = arith.constant 6 : i32
      %dma_wait3A_524 = arith.constant 0 : i32
      %dma_wait3A_525 = arith.constant 0 : i32
      %dma_wait3A_526 = tpu.memref_slice %arg6[%dma_wait3A_522, %dma_wait3A_524, %dma_wait3A_525] : memref<10x128x64xf32, #tpu.memory_space<vmem>> -> memref<1x128x64xf32, #tpu.memory_space<vmem>>
      %dma_wait3A_527 = tpu.memref_squeeze %dma_wait3A_526 : memref<1x128x64xf32, #tpu.memory_space<vmem>> -> memref<128x64xf32, #tpu.memory_space<vmem>>
      %dma_wait3A_528 = arith.constant 0 : i32
      %dma_wait3A_529 = tpu.memref_slice %arg5[%dma_wait3A_521, %dma_wait3A_528] : memref<200x128xi32, #tpu.memory_space<vmem>> -> memref<1x128xi32, #tpu.memory_space<vmem>>
      %dma_wait3A_530 = tpu.memref_squeeze %dma_wait3A_529 : memref<1x128xi32, #tpu.memory_space<vmem>> -> memref<128xi32, #tpu.memory_space<vmem>>
      %dma_wait3A_531 = arith.constant 0 : i32
      %dma_wait3A_532 = arith.constant 0 : i32
      %dma_wait3A_533 = tpu.memref_slice %arg3[%dma_wait3A_531, %dma_wait3A_532] : memref<1000001x64xf32, #tpu.memory_space<hbm>> -> memref<1000001x64xf32, #tpu.memory_space<hbm>>
      %dma_wait3A_534 = tpu.memref_slice %arg7[%dma_wait3A_523] : memref<10x!tpu.dma_semaphore, #tpu.memory_space<semaphore_mem>> -> memref<1x!tpu.dma_semaphore, #tpu.memory_space<semaphore_mem>>
      %dma_wait3A_535 = tpu.memref_squeeze %dma_wait3A_534 : memref<1x!tpu.dma_semaphore, #tpu.memory_space<semaphore_mem>> -> memref<!tpu.dma_semaphore, #tpu.memory_space<semaphore_mem>>
      tpu.wait_indirect_dma semaphore(%dma_wait3A_535 : memref<!tpu.dma_semaphore, #tpu.memory_space<semaphore_mem>>) src(%dma_wait3A_533 : memref<1000001x64xf32, #tpu.memory_space<hbm>>) dst(%dma_wait3A_527 : memref<128x64xf32, #tpu.memory_space<vmem>>)
      %mul3A_536 = arith.constant 128 : i32
      %mul3A_537 = arith.muli %add3A_520, %mul3A_536 : i32
      %add3A_538 = arith.addi %mul3A_2, %mul3A_537 : i32
      %dma_start3A_539 = arith.constant 6 : i32
      %dma_start3A_540 = arith.constant 6 : i32
      %dma_start3A_541 = arith.constant 0 : i32
      %dma_start3A_542 = arith.constant 0 : i32
      %dma_start3A_543 = tpu.memref_slice %arg6[%dma_start3A_539, %dma_start3A_541, %dma_start3A_542] : memref<10x128x64xf32, #tpu.memory_space<vmem>> -> memref<1x128x64xf32, #tpu.memory_space<vmem>>
      %dma_start3A_544 = tpu.memref_squeeze %dma_start3A_543 : memref<1x128x64xf32, #tpu.memory_space<vmem>> -> memref<128x64xf32, #tpu.memory_space<vmem>>
      %dma_start3A_545 = arith.constant 0 : i32
      %dma_start3A_546 = tpu.memref_slice %arg4[%add3A_538, %dma_start3A_545] : memref<819200x64xf32, #tpu.memory_space<hbm>> -> memref<128x64xf32, #tpu.memory_space<hbm>>
      %dma_start3A_547 = tpu.memref_slice %arg8[%dma_start3A_540] : memref<10x!tpu.dma_semaphore, #tpu.memory_space<semaphore_mem>> -> memref<1x!tpu.dma_semaphore, #tpu.memory_space<semaphore_mem>>
      %dma_start3A_548 = tpu.memref_squeeze %dma_start3A_547 : memref<1x!tpu.dma_semaphore, #tpu.memory_space<semaphore_mem>> -> memref<!tpu.dma_semaphore, #tpu.memory_space<semaphore_mem>>
      %dma_start3A_549 = arith.constant 0 : i32
      %dma_start3A_550 = tpu.memref_slice %arg4[%add3A_538, %dma_start3A_549] : memref<819200x64xf32, #tpu.memory_space<hbm>> -> memref<128x64xf32, #tpu.memory_space<hbm>>
      %dma_start3A_551 = arith.constant 0 : i32
      %dma_start3A_552 = arith.constant 0 : i32
      %dma_start3A_553 = tpu.memref_slice %arg6[%dma_start3A_539, %dma_start3A_551, %dma_start3A_552] : memref<10x128x64xf32, #tpu.memory_space<vmem>> -> memref<1x128x64xf32, #tpu.memory_space<vmem>>
      %dma_start3A_554 = tpu.memref_squeeze %dma_start3A_553 : memref<1x128x64xf32, #tpu.memory_space<vmem>> -> memref<128x64xf32, #tpu.memory_space<vmem>>
      tpu.enqueue_dma source(%dma_start3A_554 : memref<128x64xf32, #tpu.memory_space<vmem>>) target(%dma_start3A_550 : memref<128x64xf32, #tpu.memory_space<hbm>>) target_semaphore(%dma_start3A_548 : memref<!tpu.dma_semaphore, #tpu.memory_space<semaphore_mem>>)
      %add3A_555 = arith.constant 5 : i32
      %add3A_556 = arith.addi %add3A_520, %add3A_555 : i32
      %lt3A_557 = arith.constant 200 : i32
      %lt3A_558 = arith.cmpi slt, %add3A_556, %lt3A_557 : i32
      %convert_element_type3A_559 = arith.extui %lt3A_558 : i1 to i32
      %cond3A_560 = arith.constant 0 : i32
      %cond3A_561 = arith.cmpi ne, %convert_element_type3A_559, %cond3A_560 : i32
      scf.if %cond3A_561 {
        %ge3A = arith.constant 10 : i32
        %ge3A_691 = arith.cmpi sge, %add3A_556, %ge3A : i32
        %convert_element_type3A_692 = arith.extui %ge3A_691 : i1 to i32
        %cond3A_693 = arith.constant 0 : i32
        %cond3A_694 = arith.cmpi ne, %convert_element_type3A_692, %cond3A_693 : i32
        scf.if %cond3A_694 {
          %dma_wait3A_709 = arith.constant 1 : i32
          %dma_wait3A_710 = arith.constant 1 : i32
          %dma_wait3A_711 = arith.constant 0 : i32
          %dma_wait3A_712 = arith.constant 0 : i32
          %dma_wait3A_713 = tpu.memref_slice %arg6[%dma_wait3A_709, %dma_wait3A_711, %dma_wait3A_712] : memref<10x128x64xf32, #tpu.memory_space<vmem>> -> memref<1x128x64xf32, #tpu.memory_space<vmem>>
          %dma_wait3A_714 = tpu.memref_squeeze %dma_wait3A_713 : memref<1x128x64xf32, #tpu.memory_space<vmem>> -> memref<128x64xf32, #tpu.memory_space<vmem>>
          %dma_wait3A_715 = arith.constant 0 : i32
          %dma_wait3A_716 = arith.constant 0 : i32
          %dma_wait3A_717 = tpu.memref_slice %arg4[%dma_wait3A_715, %dma_wait3A_716] : memref<819200x64xf32, #tpu.memory_space<hbm>> -> memref<128x64xf32, #tpu.memory_space<hbm>>
          %dma_wait3A_718 = tpu.memref_slice %arg8[%dma_wait3A_710] : memref<10x!tpu.dma_semaphore, #tpu.memory_space<semaphore_mem>> -> memref<1x!tpu.dma_semaphore, #tpu.memory_space<semaphore_mem>>
          %dma_wait3A_719 = tpu.memref_squeeze %dma_wait3A_718 : memref<1x!tpu.dma_semaphore, #tpu.memory_space<semaphore_mem>> -> memref<!tpu.dma_semaphore, #tpu.memory_space<semaphore_mem>>
          %dma_wait3A_720 = arith.constant 0 : i32
          %dma_wait3A_721 = arith.constant 0 : i32
          %dma_wait3A_722 = tpu.memref_slice %arg4[%dma_wait3A_720, %dma_wait3A_721] : memref<819200x64xf32, #tpu.memory_space<hbm>> -> memref<128x64xf32, #tpu.memory_space<hbm>>
          %dma_wait3A_723 = arith.constant 0 : i32
          %dma_wait3A_724 = arith.constant 0 : i32
          %dma_wait3A_725 = tpu.memref_slice %arg6[%dma_wait3A_709, %dma_wait3A_723, %dma_wait3A_724] : memref<10x128x64xf32, #tpu.memory_space<vmem>> -> memref<1x128x64xf32, #tpu.memory_space<vmem>>
          %dma_wait3A_726 = tpu.memref_squeeze %dma_wait3A_725 : memref<1x128x64xf32, #tpu.memory_space<vmem>> -> memref<128x64xf32, #tpu.memory_space<vmem>>
          tpu.wait_dma2 semaphore(%dma_wait3A_719 : memref<!tpu.dma_semaphore, #tpu.memory_space<semaphore_mem>>) src(%dma_wait3A_726 : memref<128x64xf32, #tpu.memory_space<vmem>>) dst(%dma_wait3A_722 : memref<128x64xf32, #tpu.memory_space<hbm>>)
        } else {
        }
        %dma_start3A_695 = arith.constant 1 : i32
        %dma_start3A_696 = arith.constant 1 : i32
        %dma_start3A_697 = arith.constant 0 : i32
        %dma_start3A_698 = arith.constant 0 : i32
        %dma_start3A_699 = tpu.memref_slice %arg6[%dma_start3A_695, %dma_start3A_697, %dma_start3A_698] : memref<10x128x64xf32, #tpu.memory_space<vmem>> -> memref<1x128x64xf32, #tpu.memory_space<vmem>>
        %dma_start3A_700 = tpu.memref_squeeze %dma_start3A_699 : memref<1x128x64xf32, #tpu.memory_space<vmem>> -> memref<128x64xf32, #tpu.memory_space<vmem>>
        %dma_start3A_701 = arith.constant 0 : i32
        %dma_start3A_702 = tpu.memref_slice %arg5[%add3A_556, %dma_start3A_701] : memref<200x128xi32, #tpu.memory_space<vmem>> -> memref<1x128xi32, #tpu.memory_space<vmem>>
        %dma_start3A_703 = tpu.memref_squeeze %dma_start3A_702 : memref<1x128xi32, #tpu.memory_space<vmem>> -> memref<128xi32, #tpu.memory_space<vmem>>
        %dma_start3A_704 = arith.constant 0 : i32
        %dma_start3A_705 = arith.constant 0 : i32
        %dma_start3A_706 = tpu.memref_slice %arg3[%dma_start3A_704, %dma_start3A_705] : memref<1000001x64xf32, #tpu.memory_space<hbm>> -> memref<1000001x64xf32, #tpu.memory_space<hbm>>
        %dma_start3A_707 = tpu.memref_slice %arg7[%dma_start3A_696] : memref<10x!tpu.dma_semaphore, #tpu.memory_space<semaphore_mem>> -> memref<1x!tpu.dma_semaphore, #tpu.memory_space<semaphore_mem>>
        %dma_start3A_708 = tpu.memref_squeeze %dma_start3A_707 : memref<1x!tpu.dma_semaphore, #tpu.memory_space<semaphore_mem>> -> memref<!tpu.dma_semaphore, #tpu.memory_space<semaphore_mem>>
        tpu.enqueue_indirect_dma source(%dma_start3A_706 : memref<1000001x64xf32, #tpu.memory_space<hbm>>) target(%dma_start3A_700 : memref<128x64xf32, #tpu.memory_space<vmem>>) offsets(%dma_start3A_703 : memref<128xi32, #tpu.memory_space<vmem>>) semaphore(%dma_start3A_708 : memref<!tpu.dma_semaphore, #tpu.memory_space<semaphore_mem>>)
      } else {
      }
      %add3A_562 = arith.constant 7 : i32
      %add3A_563 = arith.addi %mul3A_263, %add3A_562 : i32
      %dma_wait3A_564 = arith.constant 0 : i32
      %dma_wait3A_565 = arith.constant 7 : i32
      %dma_wait3A_566 = arith.constant 7 : i32
      %dma_wait3A_567 = arith.constant 0 : i32
      %dma_wait3A_568 = arith.constant 0 : i32
      %dma_wait3A_569 = tpu.memref_slice %arg6[%dma_wait3A_565, %dma_wait3A_567, %dma_wait3A_568] : memref<10x128x64xf32, #tpu.memory_space<vmem>> -> memref<1x128x64xf32, #tpu.memory_space<vmem>>
      %dma_wait3A_570 = tpu.memref_squeeze %dma_wait3A_569 : memref<1x128x64xf32, #tpu.memory_space<vmem>> -> memref<128x64xf32, #tpu.memory_space<vmem>>
      %dma_wait3A_571 = arith.constant 0 : i32
      %dma_wait3A_572 = tpu.memref_slice %arg5[%dma_wait3A_564, %dma_wait3A_571] : memref<200x128xi32, #tpu.memory_space<vmem>> -> memref<1x128xi32, #tpu.memory_space<vmem>>
      %dma_wait3A_573 = tpu.memref_squeeze %dma_wait3A_572 : memref<1x128xi32, #tpu.memory_space<vmem>> -> memref<128xi32, #tpu.memory_space<vmem>>
      %dma_wait3A_574 = arith.constant 0 : i32
      %dma_wait3A_575 = arith.constant 0 : i32
      %dma_wait3A_576 = tpu.memref_slice %arg3[%dma_wait3A_574, %dma_wait3A_575] : memref<1000001x64xf32, #tpu.memory_space<hbm>> -> memref<1000001x64xf32, #tpu.memory_space<hbm>>
      %dma_wait3A_577 = tpu.memref_slice %arg7[%dma_wait3A_566] : memref<10x!tpu.dma_semaphore, #tpu.memory_space<semaphore_mem>> -> memref<1x!tpu.dma_semaphore, #tpu.memory_space<semaphore_mem>>
      %dma_wait3A_578 = tpu.memref_squeeze %dma_wait3A_577 : memref<1x!tpu.dma_semaphore, #tpu.memory_space<semaphore_mem>> -> memref<!tpu.dma_semaphore, #tpu.memory_space<semaphore_mem>>
      tpu.wait_indirect_dma semaphore(%dma_wait3A_578 : memref<!tpu.dma_semaphore, #tpu.memory_space<semaphore_mem>>) src(%dma_wait3A_576 : memref<1000001x64xf32, #tpu.memory_space<hbm>>) dst(%dma_wait3A_570 : memref<128x64xf32, #tpu.memory_space<vmem>>)
      %mul3A_579 = arith.constant 128 : i32
      %mul3A_580 = arith.muli %add3A_563, %mul3A_579 : i32
      %add3A_581 = arith.addi %mul3A_2, %mul3A_580 : i32
      %dma_start3A_582 = arith.constant 7 : i32
      %dma_start3A_583 = arith.constant 7 : i32
      %dma_start3A_584 = arith.constant 0 : i32
      %dma_start3A_585 = arith.constant 0 : i32
      %dma_start3A_586 = tpu.memref_slice %arg6[%dma_start3A_582, %dma_start3A_584, %dma_start3A_585] : memref<10x128x64xf32, #tpu.memory_space<vmem>> -> memref<1x128x64xf32, #tpu.memory_space<vmem>>
      %dma_start3A_587 = tpu.memref_squeeze %dma_start3A_586 : memref<1x128x64xf32, #tpu.memory_space<vmem>> -> memref<128x64xf32, #tpu.memory_space<vmem>>
      %dma_start3A_588 = arith.constant 0 : i32
      %dma_start3A_589 = tpu.memref_slice %arg4[%add3A_581, %dma_start3A_588] : memref<819200x64xf32, #tpu.memory_space<hbm>> -> memref<128x64xf32, #tpu.memory_space<hbm>>
      %dma_start3A_590 = tpu.memref_slice %arg8[%dma_start3A_583] : memref<10x!tpu.dma_semaphore, #tpu.memory_space<semaphore_mem>> -> memref<1x!tpu.dma_semaphore, #tpu.memory_space<semaphore_mem>>
      %dma_start3A_591 = tpu.memref_squeeze %dma_start3A_590 : memref<1x!tpu.dma_semaphore, #tpu.memory_space<semaphore_mem>> -> memref<!tpu.dma_semaphore, #tpu.memory_space<semaphore_mem>>
      %dma_start3A_592 = arith.constant 0 : i32
      %dma_start3A_593 = tpu.memref_slice %arg4[%add3A_581, %dma_start3A_592] : memref<819200x64xf32, #tpu.memory_space<hbm>> -> memref<128x64xf32, #tpu.memory_space<hbm>>
      %dma_start3A_594 = arith.constant 0 : i32
      %dma_start3A_595 = arith.constant 0 : i32
      %dma_start3A_596 = tpu.memref_slice %arg6[%dma_start3A_582, %dma_start3A_594, %dma_start3A_595] : memref<10x128x64xf32, #tpu.memory_space<vmem>> -> memref<1x128x64xf32, #tpu.memory_space<vmem>>
      %dma_start3A_597 = tpu.memref_squeeze %dma_start3A_596 : memref<1x128x64xf32, #tpu.memory_space<vmem>> -> memref<128x64xf32, #tpu.memory_space<vmem>>
      tpu.enqueue_dma source(%dma_start3A_597 : memref<128x64xf32, #tpu.memory_space<vmem>>) target(%dma_start3A_593 : memref<128x64xf32, #tpu.memory_space<hbm>>) target_semaphore(%dma_start3A_591 : memref<!tpu.dma_semaphore, #tpu.memory_space<semaphore_mem>>)
      %add3A_598 = arith.constant 5 : i32
      %add3A_599 = arith.addi %add3A_563, %add3A_598 : i32
      %lt3A_600 = arith.constant 200 : i32
      %lt3A_601 = arith.cmpi slt, %add3A_599, %lt3A_600 : i32
      %convert_element_type3A_602 = arith.extui %lt3A_601 : i1 to i32
      %cond3A_603 = arith.constant 0 : i32
      %cond3A_604 = arith.cmpi ne, %convert_element_type3A_602, %cond3A_603 : i32
      scf.if %cond3A_604 {
        %ge3A = arith.constant 10 : i32
        %ge3A_691 = arith.cmpi sge, %add3A_599, %ge3A : i32
        %convert_element_type3A_692 = arith.extui %ge3A_691 : i1 to i32
        %cond3A_693 = arith.constant 0 : i32
        %cond3A_694 = arith.cmpi ne, %convert_element_type3A_692, %cond3A_693 : i32
        scf.if %cond3A_694 {
          %dma_wait3A_709 = arith.constant 2 : i32
          %dma_wait3A_710 = arith.constant 2 : i32
          %dma_wait3A_711 = arith.constant 0 : i32
          %dma_wait3A_712 = arith.constant 0 : i32
          %dma_wait3A_713 = tpu.memref_slice %arg6[%dma_wait3A_709, %dma_wait3A_711, %dma_wait3A_712] : memref<10x128x64xf32, #tpu.memory_space<vmem>> -> memref<1x128x64xf32, #tpu.memory_space<vmem>>
          %dma_wait3A_714 = tpu.memref_squeeze %dma_wait3A_713 : memref<1x128x64xf32, #tpu.memory_space<vmem>> -> memref<128x64xf32, #tpu.memory_space<vmem>>
          %dma_wait3A_715 = arith.constant 0 : i32
          %dma_wait3A_716 = arith.constant 0 : i32
          %dma_wait3A_717 = tpu.memref_slice %arg4[%dma_wait3A_715, %dma_wait3A_716] : memref<819200x64xf32, #tpu.memory_space<hbm>> -> memref<128x64xf32, #tpu.memory_space<hbm>>
          %dma_wait3A_718 = tpu.memref_slice %arg8[%dma_wait3A_710] : memref<10x!tpu.dma_semaphore, #tpu.memory_space<semaphore_mem>> -> memref<1x!tpu.dma_semaphore, #tpu.memory_space<semaphore_mem>>
          %dma_wait3A_719 = tpu.memref_squeeze %dma_wait3A_718 : memref<1x!tpu.dma_semaphore, #tpu.memory_space<semaphore_mem>> -> memref<!tpu.dma_semaphore, #tpu.memory_space<semaphore_mem>>
          %dma_wait3A_720 = arith.constant 0 : i32
          %dma_wait3A_721 = arith.constant 0 : i32
          %dma_wait3A_722 = tpu.memref_slice %arg4[%dma_wait3A_720, %dma_wait3A_721] : memref<819200x64xf32, #tpu.memory_space<hbm>> -> memref<128x64xf32, #tpu.memory_space<hbm>>
          %dma_wait3A_723 = arith.constant 0 : i32
          %dma_wait3A_724 = arith.constant 0 : i32
          %dma_wait3A_725 = tpu.memref_slice %arg6[%dma_wait3A_709, %dma_wait3A_723, %dma_wait3A_724] : memref<10x128x64xf32, #tpu.memory_space<vmem>> -> memref<1x128x64xf32, #tpu.memory_space<vmem>>
          %dma_wait3A_726 = tpu.memref_squeeze %dma_wait3A_725 : memref<1x128x64xf32, #tpu.memory_space<vmem>> -> memref<128x64xf32, #tpu.memory_space<vmem>>
          tpu.wait_dma2 semaphore(%dma_wait3A_719 : memref<!tpu.dma_semaphore, #tpu.memory_space<semaphore_mem>>) src(%dma_wait3A_726 : memref<128x64xf32, #tpu.memory_space<vmem>>) dst(%dma_wait3A_722 : memref<128x64xf32, #tpu.memory_space<hbm>>)
        } else {
        }
        %dma_start3A_695 = arith.constant 2 : i32
        %dma_start3A_696 = arith.constant 2 : i32
        %dma_start3A_697 = arith.constant 0 : i32
        %dma_start3A_698 = arith.constant 0 : i32
        %dma_start3A_699 = tpu.memref_slice %arg6[%dma_start3A_695, %dma_start3A_697, %dma_start3A_698] : memref<10x128x64xf32, #tpu.memory_space<vmem>> -> memref<1x128x64xf32, #tpu.memory_space<vmem>>
        %dma_start3A_700 = tpu.memref_squeeze %dma_start3A_699 : memref<1x128x64xf32, #tpu.memory_space<vmem>> -> memref<128x64xf32, #tpu.memory_space<vmem>>
        %dma_start3A_701 = arith.constant 0 : i32
        %dma_start3A_702 = tpu.memref_slice %arg5[%add3A_599, %dma_start3A_701] : memref<200x128xi32, #tpu.memory_space<vmem>> -> memref<1x128xi32, #tpu.memory_space<vmem>>
        %dma_start3A_703 = tpu.memref_squeeze %dma_start3A_702 : memref<1x128xi32, #tpu.memory_space<vmem>> -> memref<128xi32, #tpu.memory_space<vmem>>
        %dma_start3A_704 = arith.constant 0 : i32
        %dma_start3A_705 = arith.constant 0 : i32
        %dma_start3A_706 = tpu.memref_slice %arg3[%dma_start3A_704, %dma_start3A_705] : memref<1000001x64xf32, #tpu.memory_space<hbm>> -> memref<1000001x64xf32, #tpu.memory_space<hbm>>
        %dma_start3A_707 = tpu.memref_slice %arg7[%dma_start3A_696] : memref<10x!tpu.dma_semaphore, #tpu.memory_space<semaphore_mem>> -> memref<1x!tpu.dma_semaphore, #tpu.memory_space<semaphore_mem>>
        %dma_start3A_708 = tpu.memref_squeeze %dma_start3A_707 : memref<1x!tpu.dma_semaphore, #tpu.memory_space<semaphore_mem>> -> memref<!tpu.dma_semaphore, #tpu.memory_space<semaphore_mem>>
        tpu.enqueue_indirect_dma source(%dma_start3A_706 : memref<1000001x64xf32, #tpu.memory_space<hbm>>) target(%dma_start3A_700 : memref<128x64xf32, #tpu.memory_space<vmem>>) offsets(%dma_start3A_703 : memref<128xi32, #tpu.memory_space<vmem>>) semaphore(%dma_start3A_708 : memref<!tpu.dma_semaphore, #tpu.memory_space<semaphore_mem>>)
      } else {
      }
      %add3A_605 = arith.constant 8 : i32
      %add3A_606 = arith.addi %mul3A_263, %add3A_605 : i32
      %dma_wait3A_607 = arith.constant 0 : i32
      %dma_wait3A_608 = arith.constant 8 : i32
      %dma_wait3A_609 = arith.constant 8 : i32
      %dma_wait3A_610 = arith.constant 0 : i32
      %dma_wait3A_611 = arith.constant 0 : i32
      %dma_wait3A_612 = tpu.memref_slice %arg6[%dma_wait3A_608, %dma_wait3A_610, %dma_wait3A_611] : memref<10x128x64xf32, #tpu.memory_space<vmem>> -> memref<1x128x64xf32, #tpu.memory_space<vmem>>
      %dma_wait3A_613 = tpu.memref_squeeze %dma_wait3A_612 : memref<1x128x64xf32, #tpu.memory_space<vmem>> -> memref<128x64xf32, #tpu.memory_space<vmem>>
      %dma_wait3A_614 = arith.constant 0 : i32
      %dma_wait3A_615 = tpu.memref_slice %arg5[%dma_wait3A_607, %dma_wait3A_614] : memref<200x128xi32, #tpu.memory_space<vmem>> -> memref<1x128xi32, #tpu.memory_space<vmem>>
      %dma_wait3A_616 = tpu.memref_squeeze %dma_wait3A_615 : memref<1x128xi32, #tpu.memory_space<vmem>> -> memref<128xi32, #tpu.memory_space<vmem>>
      %dma_wait3A_617 = arith.constant 0 : i32
      %dma_wait3A_618 = arith.constant 0 : i32
      %dma_wait3A_619 = tpu.memref_slice %arg3[%dma_wait3A_617, %dma_wait3A_618] : memref<1000001x64xf32, #tpu.memory_space<hbm>> -> memref<1000001x64xf32, #tpu.memory_space<hbm>>
      %dma_wait3A_620 = tpu.memref_slice %arg7[%dma_wait3A_609] : memref<10x!tpu.dma_semaphore, #tpu.memory_space<semaphore_mem>> -> memref<1x!tpu.dma_semaphore, #tpu.memory_space<semaphore_mem>>
      %dma_wait3A_621 = tpu.memref_squeeze %dma_wait3A_620 : memref<1x!tpu.dma_semaphore, #tpu.memory_space<semaphore_mem>> -> memref<!tpu.dma_semaphore, #tpu.memory_space<semaphore_mem>>
      tpu.wait_indirect_dma semaphore(%dma_wait3A_621 : memref<!tpu.dma_semaphore, #tpu.memory_space<semaphore_mem>>) src(%dma_wait3A_619 : memref<1000001x64xf32, #tpu.memory_space<hbm>>) dst(%dma_wait3A_613 : memref<128x64xf32, #tpu.memory_space<vmem>>)
      %mul3A_622 = arith.constant 128 : i32
      %mul3A_623 = arith.muli %add3A_606, %mul3A_622 : i32
      %add3A_624 = arith.addi %mul3A_2, %mul3A_623 : i32
      %dma_start3A_625 = arith.constant 8 : i32
      %dma_start3A_626 = arith.constant 8 : i32
      %dma_start3A_627 = arith.constant 0 : i32
      %dma_start3A_628 = arith.constant 0 : i32
      %dma_start3A_629 = tpu.memref_slice %arg6[%dma_start3A_625, %dma_start3A_627, %dma_start3A_628] : memref<10x128x64xf32, #tpu.memory_space<vmem>> -> memref<1x128x64xf32, #tpu.memory_space<vmem>>
      %dma_start3A_630 = tpu.memref_squeeze %dma_start3A_629 : memref<1x128x64xf32, #tpu.memory_space<vmem>> -> memref<128x64xf32, #tpu.memory_space<vmem>>
      %dma_start3A_631 = arith.constant 0 : i32
      %dma_start3A_632 = tpu.memref_slice %arg4[%add3A_624, %dma_start3A_631] : memref<819200x64xf32, #tpu.memory_space<hbm>> -> memref<128x64xf32, #tpu.memory_space<hbm>>
      %dma_start3A_633 = tpu.memref_slice %arg8[%dma_start3A_626] : memref<10x!tpu.dma_semaphore, #tpu.memory_space<semaphore_mem>> -> memref<1x!tpu.dma_semaphore, #tpu.memory_space<semaphore_mem>>
      %dma_start3A_634 = tpu.memref_squeeze %dma_start3A_633 : memref<1x!tpu.dma_semaphore, #tpu.memory_space<semaphore_mem>> -> memref<!tpu.dma_semaphore, #tpu.memory_space<semaphore_mem>>
      %dma_start3A_635 = arith.constant 0 : i32
      %dma_start3A_636 = tpu.memref_slice %arg4[%add3A_624, %dma_start3A_635] : memref<819200x64xf32, #tpu.memory_space<hbm>> -> memref<128x64xf32, #tpu.memory_space<hbm>>
      %dma_start3A_637 = arith.constant 0 : i32
      %dma_start3A_638 = arith.constant 0 : i32
      %dma_start3A_639 = tpu.memref_slice %arg6[%dma_start3A_625, %dma_start3A_637, %dma_start3A_638] : memref<10x128x64xf32, #tpu.memory_space<vmem>> -> memref<1x128x64xf32, #tpu.memory_space<vmem>>
      %dma_start3A_640 = tpu.memref_squeeze %dma_start3A_639 : memref<1x128x64xf32, #tpu.memory_space<vmem>> -> memref<128x64xf32, #tpu.memory_space<vmem>>
      tpu.enqueue_dma source(%dma_start3A_640 : memref<128x64xf32, #tpu.memory_space<vmem>>) target(%dma_start3A_636 : memref<128x64xf32, #tpu.memory_space<hbm>>) target_semaphore(%dma_start3A_634 : memref<!tpu.dma_semaphore, #tpu.memory_space<semaphore_mem>>)
      %add3A_641 = arith.constant 5 : i32
      %add3A_642 = arith.addi %add3A_606, %add3A_641 : i32
      %lt3A_643 = arith.constant 200 : i32
      %lt3A_644 = arith.cmpi slt, %add3A_642, %lt3A_643 : i32
      %convert_element_type3A_645 = arith.extui %lt3A_644 : i1 to i32
      %cond3A_646 = arith.constant 0 : i32
      %cond3A_647 = arith.cmpi ne, %convert_element_type3A_645, %cond3A_646 : i32
      scf.if %cond3A_647 {
        %ge3A = arith.constant 10 : i32
        %ge3A_691 = arith.cmpi sge, %add3A_642, %ge3A : i32
        %convert_element_type3A_692 = arith.extui %ge3A_691 : i1 to i32
        %cond3A_693 = arith.constant 0 : i32
        %cond3A_694 = arith.cmpi ne, %convert_element_type3A_692, %cond3A_693 : i32
        scf.if %cond3A_694 {
          %dma_wait3A_709 = arith.constant 3 : i32
          %dma_wait3A_710 = arith.constant 3 : i32
          %dma_wait3A_711 = arith.constant 0 : i32
          %dma_wait3A_712 = arith.constant 0 : i32
          %dma_wait3A_713 = tpu.memref_slice %arg6[%dma_wait3A_709, %dma_wait3A_711, %dma_wait3A_712] : memref<10x128x64xf32, #tpu.memory_space<vmem>> -> memref<1x128x64xf32, #tpu.memory_space<vmem>>
          %dma_wait3A_714 = tpu.memref_squeeze %dma_wait3A_713 : memref<1x128x64xf32, #tpu.memory_space<vmem>> -> memref<128x64xf32, #tpu.memory_space<vmem>>
          %dma_wait3A_715 = arith.constant 0 : i32
          %dma_wait3A_716 = arith.constant 0 : i32
          %dma_wait3A_717 = tpu.memref_slice %arg4[%dma_wait3A_715, %dma_wait3A_716] : memref<819200x64xf32, #tpu.memory_space<hbm>> -> memref<128x64xf32, #tpu.memory_space<hbm>>
          %dma_wait3A_718 = tpu.memref_slice %arg8[%dma_wait3A_710] : memref<10x!tpu.dma_semaphore, #tpu.memory_space<semaphore_mem>> -> memref<1x!tpu.dma_semaphore, #tpu.memory_space<semaphore_mem>>
          %dma_wait3A_719 = tpu.memref_squeeze %dma_wait3A_718 : memref<1x!tpu.dma_semaphore, #tpu.memory_space<semaphore_mem>> -> memref<!tpu.dma_semaphore, #tpu.memory_space<semaphore_mem>>
          %dma_wait3A_720 = arith.constant 0 : i32
          %dma_wait3A_721 = arith.constant 0 : i32
          %dma_wait3A_722 = tpu.memref_slice %arg4[%dma_wait3A_720, %dma_wait3A_721] : memref<819200x64xf32, #tpu.memory_space<hbm>> -> memref<128x64xf32, #tpu.memory_space<hbm>>
          %dma_wait3A_723 = arith.constant 0 : i32
          %dma_wait3A_724 = arith.constant 0 : i32
          %dma_wait3A_725 = tpu.memref_slice %arg6[%dma_wait3A_709, %dma_wait3A_723, %dma_wait3A_724] : memref<10x128x64xf32, #tpu.memory_space<vmem>> -> memref<1x128x64xf32, #tpu.memory_space<vmem>>
          %dma_wait3A_726 = tpu.memref_squeeze %dma_wait3A_725 : memref<1x128x64xf32, #tpu.memory_space<vmem>> -> memref<128x64xf32, #tpu.memory_space<vmem>>
          tpu.wait_dma2 semaphore(%dma_wait3A_719 : memref<!tpu.dma_semaphore, #tpu.memory_space<semaphore_mem>>) src(%dma_wait3A_726 : memref<128x64xf32, #tpu.memory_space<vmem>>) dst(%dma_wait3A_722 : memref<128x64xf32, #tpu.memory_space<hbm>>)
        } else {
        }
        %dma_start3A_695 = arith.constant 3 : i32
        %dma_start3A_696 = arith.constant 3 : i32
        %dma_start3A_697 = arith.constant 0 : i32
        %dma_start3A_698 = arith.constant 0 : i32
        %dma_start3A_699 = tpu.memref_slice %arg6[%dma_start3A_695, %dma_start3A_697, %dma_start3A_698] : memref<10x128x64xf32, #tpu.memory_space<vmem>> -> memref<1x128x64xf32, #tpu.memory_space<vmem>>
        %dma_start3A_700 = tpu.memref_squeeze %dma_start3A_699 : memref<1x128x64xf32, #tpu.memory_space<vmem>> -> memref<128x64xf32, #tpu.memory_space<vmem>>
        %dma_start3A_701 = arith.constant 0 : i32
        %dma_start3A_702 = tpu.memref_slice %arg5[%add3A_642, %dma_start3A_701] : memref<200x128xi32, #tpu.memory_space<vmem>> -> memref<1x128xi32, #tpu.memory_space<vmem>>
        %dma_start3A_703 = tpu.memref_squeeze %dma_start3A_702 : memref<1x128xi32, #tpu.memory_space<vmem>> -> memref<128xi32, #tpu.memory_space<vmem>>
        %dma_start3A_704 = arith.constant 0 : i32
        %dma_start3A_705 = arith.constant 0 : i32
        %dma_start3A_706 = tpu.memref_slice %arg3[%dma_start3A_704, %dma_start3A_705] : memref<1000001x64xf32, #tpu.memory_space<hbm>> -> memref<1000001x64xf32, #tpu.memory_space<hbm>>
        %dma_start3A_707 = tpu.memref_slice %arg7[%dma_start3A_696] : memref<10x!tpu.dma_semaphore, #tpu.memory_space<semaphore_mem>> -> memref<1x!tpu.dma_semaphore, #tpu.memory_space<semaphore_mem>>
        %dma_start3A_708 = tpu.memref_squeeze %dma_start3A_707 : memref<1x!tpu.dma_semaphore, #tpu.memory_space<semaphore_mem>> -> memref<!tpu.dma_semaphore, #tpu.memory_space<semaphore_mem>>
        tpu.enqueue_indirect_dma source(%dma_start3A_706 : memref<1000001x64xf32, #tpu.memory_space<hbm>>) target(%dma_start3A_700 : memref<128x64xf32, #tpu.memory_space<vmem>>) offsets(%dma_start3A_703 : memref<128xi32, #tpu.memory_space<vmem>>) semaphore(%dma_start3A_708 : memref<!tpu.dma_semaphore, #tpu.memory_space<semaphore_mem>>)
      } else {
      }
      %add3A_648 = arith.constant 9 : i32
      %add3A_649 = arith.addi %mul3A_263, %add3A_648 : i32
      %dma_wait3A_650 = arith.constant 0 : i32
      %dma_wait3A_651 = arith.constant 9 : i32
      %dma_wait3A_652 = arith.constant 9 : i32
      %dma_wait3A_653 = arith.constant 0 : i32
      %dma_wait3A_654 = arith.constant 0 : i32
      %dma_wait3A_655 = tpu.memref_slice %arg6[%dma_wait3A_651, %dma_wait3A_653, %dma_wait3A_654] : memref<10x128x64xf32, #tpu.memory_space<vmem>> -> memref<1x128x64xf32, #tpu.memory_space<vmem>>
      %dma_wait3A_656 = tpu.memref_squeeze %dma_wait3A_655 : memref<1x128x64xf32, #tpu.memory_space<vmem>> -> memref<128x64xf32, #tpu.memory_space<vmem>>
      %dma_wait3A_657 = arith.constant 0 : i32
      %dma_wait3A_658 = tpu.memref_slice %arg5[%dma_wait3A_650, %dma_wait3A_657] : memref<200x128xi32, #tpu.memory_space<vmem>> -> memref<1x128xi32, #tpu.memory_space<vmem>>
      %dma_wait3A_659 = tpu.memref_squeeze %dma_wait3A_658 : memref<1x128xi32, #tpu.memory_space<vmem>> -> memref<128xi32, #tpu.memory_space<vmem>>
      %dma_wait3A_660 = arith.constant 0 : i32
      %dma_wait3A_661 = arith.constant 0 : i32
      %dma_wait3A_662 = tpu.memref_slice %arg3[%dma_wait3A_660, %dma_wait3A_661] : memref<1000001x64xf32, #tpu.memory_space<hbm>> -> memref<1000001x64xf32, #tpu.memory_space<hbm>>
      %dma_wait3A_663 = tpu.memref_slice %arg7[%dma_wait3A_652] : memref<10x!tpu.dma_semaphore, #tpu.memory_space<semaphore_mem>> -> memref<1x!tpu.dma_semaphore, #tpu.memory_space<semaphore_mem>>
      %dma_wait3A_664 = tpu.memref_squeeze %dma_wait3A_663 : memref<1x!tpu.dma_semaphore, #tpu.memory_space<semaphore_mem>> -> memref<!tpu.dma_semaphore, #tpu.memory_space<semaphore_mem>>
      tpu.wait_indirect_dma semaphore(%dma_wait3A_664 : memref<!tpu.dma_semaphore, #tpu.memory_space<semaphore_mem>>) src(%dma_wait3A_662 : memref<1000001x64xf32, #tpu.memory_space<hbm>>) dst(%dma_wait3A_656 : memref<128x64xf32, #tpu.memory_space<vmem>>)
      %mul3A_665 = arith.constant 128 : i32
      %mul3A_666 = arith.muli %add3A_649, %mul3A_665 : i32
      %add3A_667 = arith.addi %mul3A_2, %mul3A_666 : i32
      %dma_start3A_668 = arith.constant 9 : i32
      %dma_start3A_669 = arith.constant 9 : i32
      %dma_start3A_670 = arith.constant 0 : i32
      %dma_start3A_671 = arith.constant 0 : i32
      %dma_start3A_672 = tpu.memref_slice %arg6[%dma_start3A_668, %dma_start3A_670, %dma_start3A_671] : memref<10x128x64xf32, #tpu.memory_space<vmem>> -> memref<1x128x64xf32, #tpu.memory_space<vmem>>
      %dma_start3A_673 = tpu.memref_squeeze %dma_start3A_672 : memref<1x128x64xf32, #tpu.memory_space<vmem>> -> memref<128x64xf32, #tpu.memory_space<vmem>>
      %dma_start3A_674 = arith.constant 0 : i32
      %dma_start3A_675 = tpu.memref_slice %arg4[%add3A_667, %dma_start3A_674] : memref<819200x64xf32, #tpu.memory_space<hbm>> -> memref<128x64xf32, #tpu.memory_space<hbm>>
      %dma_start3A_676 = tpu.memref_slice %arg8[%dma_start3A_669] : memref<10x!tpu.dma_semaphore, #tpu.memory_space<semaphore_mem>> -> memref<1x!tpu.dma_semaphore, #tpu.memory_space<semaphore_mem>>
      %dma_start3A_677 = tpu.memref_squeeze %dma_start3A_676 : memref<1x!tpu.dma_semaphore, #tpu.memory_space<semaphore_mem>> -> memref<!tpu.dma_semaphore, #tpu.memory_space<semaphore_mem>>
      %dma_start3A_678 = arith.constant 0 : i32
      %dma_start3A_679 = tpu.memref_slice %arg4[%add3A_667, %dma_start3A_678] : memref<819200x64xf32, #tpu.memory_space<hbm>> -> memref<128x64xf32, #tpu.memory_space<hbm>>
      %dma_start3A_680 = arith.constant 0 : i32
      %dma_start3A_681 = arith.constant 0 : i32
      %dma_start3A_682 = tpu.memref_slice %arg6[%dma_start3A_668, %dma_start3A_680, %dma_start3A_681] : memref<10x128x64xf32, #tpu.memory_space<vmem>> -> memref<1x128x64xf32, #tpu.memory_space<vmem>>
      %dma_start3A_683 = tpu.memref_squeeze %dma_start3A_682 : memref<1x128x64xf32, #tpu.memory_space<vmem>> -> memref<128x64xf32, #tpu.memory_space<vmem>>
      tpu.enqueue_dma source(%dma_start3A_683 : memref<128x64xf32, #tpu.memory_space<vmem>>) target(%dma_start3A_679 : memref<128x64xf32, #tpu.memory_space<hbm>>) target_semaphore(%dma_start3A_677 : memref<!tpu.dma_semaphore, #tpu.memory_space<semaphore_mem>>)
      %add3A_684 = arith.constant 5 : i32
      %add3A_685 = arith.addi %add3A_649, %add3A_684 : i32
      %lt3A_686 = arith.constant 200 : i32
      %lt3A_687 = arith.cmpi slt, %add3A_685, %lt3A_686 : i32
      %convert_element_type3A_688 = arith.extui %lt3A_687 : i1 to i32
      %cond3A_689 = arith.constant 0 : i32
      %cond3A_690 = arith.cmpi ne, %convert_element_type3A_688, %cond3A_689 : i32
      scf.if %cond3A_690 {
        %ge3A = arith.constant 10 : i32
        %ge3A_691 = arith.cmpi sge, %add3A_685, %ge3A : i32
        %convert_element_type3A_692 = arith.extui %ge3A_691 : i1 to i32
        %cond3A_693 = arith.constant 0 : i32
        %cond3A_694 = arith.cmpi ne, %convert_element_type3A_692, %cond3A_693 : i32
        scf.if %cond3A_694 {
          %dma_wait3A_709 = arith.constant 4 : i32
          %dma_wait3A_710 = arith.constant 4 : i32
          %dma_wait3A_711 = arith.constant 0 : i32
          %dma_wait3A_712 = arith.constant 0 : i32
          %dma_wait3A_713 = tpu.memref_slice %arg6[%dma_wait3A_709, %dma_wait3A_711, %dma_wait3A_712] : memref<10x128x64xf32, #tpu.memory_space<vmem>> -> memref<1x128x64xf32, #tpu.memory_space<vmem>>
          %dma_wait3A_714 = tpu.memref_squeeze %dma_wait3A_713 : memref<1x128x64xf32, #tpu.memory_space<vmem>> -> memref<128x64xf32, #tpu.memory_space<vmem>>
          %dma_wait3A_715 = arith.constant 0 : i32
          %dma_wait3A_716 = arith.constant 0 : i32
          %dma_wait3A_717 = tpu.memref_slice %arg4[%dma_wait3A_715, %dma_wait3A_716] : memref<819200x64xf32, #tpu.memory_space<hbm>> -> memref<128x64xf32, #tpu.memory_space<hbm>>
          %dma_wait3A_718 = tpu.memref_slice %arg8[%dma_wait3A_710] : memref<10x!tpu.dma_semaphore, #tpu.memory_space<semaphore_mem>> -> memref<1x!tpu.dma_semaphore, #tpu.memory_space<semaphore_mem>>
          %dma_wait3A_719 = tpu.memref_squeeze %dma_wait3A_718 : memref<1x!tpu.dma_semaphore, #tpu.memory_space<semaphore_mem>> -> memref<!tpu.dma_semaphore, #tpu.memory_space<semaphore_mem>>
          %dma_wait3A_720 = arith.constant 0 : i32
          %dma_wait3A_721 = arith.constant 0 : i32
          %dma_wait3A_722 = tpu.memref_slice %arg4[%dma_wait3A_720, %dma_wait3A_721] : memref<819200x64xf32, #tpu.memory_space<hbm>> -> memref<128x64xf32, #tpu.memory_space<hbm>>
          %dma_wait3A_723 = arith.constant 0 : i32
          %dma_wait3A_724 = arith.constant 0 : i32
          %dma_wait3A_725 = tpu.memref_slice %arg6[%dma_wait3A_709, %dma_wait3A_723, %dma_wait3A_724] : memref<10x128x64xf32, #tpu.memory_space<vmem>> -> memref<1x128x64xf32, #tpu.memory_space<vmem>>
          %dma_wait3A_726 = tpu.memref_squeeze %dma_wait3A_725 : memref<1x128x64xf32, #tpu.memory_space<vmem>> -> memref<128x64xf32, #tpu.memory_space<vmem>>
          tpu.wait_dma2 semaphore(%dma_wait3A_719 : memref<!tpu.dma_semaphore, #tpu.memory_space<semaphore_mem>>) src(%dma_wait3A_726 : memref<128x64xf32, #tpu.memory_space<vmem>>) dst(%dma_wait3A_722 : memref<128x64xf32, #tpu.memory_space<hbm>>)
        } else {
        }
        %dma_start3A_695 = arith.constant 4 : i32
        %dma_start3A_696 = arith.constant 4 : i32
        %dma_start3A_697 = arith.constant 0 : i32
        %dma_start3A_698 = arith.constant 0 : i32
        %dma_start3A_699 = tpu.memref_slice %arg6[%dma_start3A_695, %dma_start3A_697, %dma_start3A_698] : memref<10x128x64xf32, #tpu.memory_space<vmem>> -> memref<1x128x64xf32, #tpu.memory_space<vmem>>
        %dma_start3A_700 = tpu.memref_squeeze %dma_start3A_699 : memref<1x128x64xf32, #tpu.memory_space<vmem>> -> memref<128x64xf32, #tpu.memory_space<vmem>>
        %dma_start3A_701 = arith.constant 0 : i32
        %dma_start3A_702 = tpu.memref_slice %arg5[%add3A_685, %dma_start3A_701] : memref<200x128xi32, #tpu.memory_space<vmem>> -> memref<1x128xi32, #tpu.memory_space<vmem>>
        %dma_start3A_703 = tpu.memref_squeeze %dma_start3A_702 : memref<1x128xi32, #tpu.memory_space<vmem>> -> memref<128xi32, #tpu.memory_space<vmem>>
        %dma_start3A_704 = arith.constant 0 : i32
        %dma_start3A_705 = arith.constant 0 : i32
        %dma_start3A_706 = tpu.memref_slice %arg3[%dma_start3A_704, %dma_start3A_705] : memref<1000001x64xf32, #tpu.memory_space<hbm>> -> memref<1000001x64xf32, #tpu.memory_space<hbm>>
        %dma_start3A_707 = tpu.memref_slice %arg7[%dma_start3A_696] : memref<10x!tpu.dma_semaphore, #tpu.memory_space<semaphore_mem>> -> memref<1x!tpu.dma_semaphore, #tpu.memory_space<semaphore_mem>>
        %dma_start3A_708 = tpu.memref_squeeze %dma_start3A_707 : memref<1x!tpu.dma_semaphore, #tpu.memory_space<semaphore_mem>> -> memref<!tpu.dma_semaphore, #tpu.memory_space<semaphore_mem>>
        tpu.enqueue_indirect_dma source(%dma_start3A_706 : memref<1000001x64xf32, #tpu.memory_space<hbm>>) target(%dma_start3A_700 : memref<128x64xf32, #tpu.memory_space<vmem>>) offsets(%dma_start3A_703 : memref<128xi32, #tpu.memory_space<vmem>>) semaphore(%dma_start3A_708 : memref<!tpu.dma_semaphore, #tpu.memory_space<semaphore_mem>>)
      } else {
      }
    }
    %scan3A_81 = arith.constant 20 : i32
    %dma_wait3A = arith.constant 0 : i32
    %dma_wait3A_82 = arith.constant 0 : i32
    %dma_wait3A_83 = arith.constant 0 : i32
    %dma_wait3A_84 = arith.constant 0 : i32
    %dma_wait3A_85 = tpu.memref_slice %arg6[%dma_wait3A, %dma_wait3A_83, %dma_wait3A_84] : memref<10x128x64xf32, #tpu.memory_space<vmem>> -> memref<1x128x64xf32, #tpu.memory_space<vmem>>
    %dma_wait3A_86 = tpu.memref_squeeze %dma_wait3A_85 : memref<1x128x64xf32, #tpu.memory_space<vmem>> -> memref<128x64xf32, #tpu.memory_space<vmem>>
    %dma_wait3A_87 = arith.constant 0 : i32
    %dma_wait3A_88 = arith.constant 0 : i32
    %dma_wait3A_89 = tpu.memref_slice %arg4[%dma_wait3A_87, %dma_wait3A_88] : memref<819200x64xf32, #tpu.memory_space<hbm>> -> memref<128x64xf32, #tpu.memory_space<hbm>>
    %dma_wait3A_90 = tpu.memref_slice %arg8[%dma_wait3A_82] : memref<10x!tpu.dma_semaphore, #tpu.memory_space<semaphore_mem>> -> memref<1x!tpu.dma_semaphore, #tpu.memory_space<semaphore_mem>>
    %dma_wait3A_91 = tpu.memref_squeeze %dma_wait3A_90 : memref<1x!tpu.dma_semaphore, #tpu.memory_space<semaphore_mem>> -> memref<!tpu.dma_semaphore, #tpu.memory_space<semaphore_mem>>
    %dma_wait3A_92 = arith.constant 0 : i32
    %dma_wait3A_93 = arith.constant 0 : i32
    %dma_wait3A_94 = tpu.memref_slice %arg4[%dma_wait3A_92, %dma_wait3A_93] : memref<819200x64xf32, #tpu.memory_space<hbm>> -> memref<128x64xf32, #tpu.memory_space<hbm>>
    %dma_wait3A_95 = arith.constant 0 : i32
    %dma_wait3A_96 = arith.constant 0 : i32
    %dma_wait3A_97 = tpu.memref_slice %arg6[%dma_wait3A, %dma_wait3A_95, %dma_wait3A_96] : memref<10x128x64xf32, #tpu.memory_space<vmem>> -> memref<1x128x64xf32, #tpu.memory_space<vmem>>
    %dma_wait3A_98 = tpu.memref_squeeze %dma_wait3A_97 : memref<1x128x64xf32, #tpu.memory_space<vmem>> -> memref<128x64xf32, #tpu.memory_space<vmem>>
    tpu.wait_dma2 semaphore(%dma_wait3A_91 : memref<!tpu.dma_semaphore, #tpu.memory_space<semaphore_mem>>) src(%dma_wait3A_98 : memref<128x64xf32, #tpu.memory_space<vmem>>) dst(%dma_wait3A_94 : memref<128x64xf32, #tpu.memory_space<hbm>>)
    %dma_wait3A_99 = arith.constant 1 : i32
    %dma_wait3A_100 = arith.constant 1 : i32
    %dma_wait3A_101 = arith.constant 0 : i32
    %dma_wait3A_102 = arith.constant 0 : i32
    %dma_wait3A_103 = tpu.memref_slice %arg6[%dma_wait3A_99, %dma_wait3A_101, %dma_wait3A_102] : memref<10x128x64xf32, #tpu.memory_space<vmem>> -> memref<1x128x64xf32, #tpu.memory_space<vmem>>
    %dma_wait3A_104 = tpu.memref_squeeze %dma_wait3A_103 : memref<1x128x64xf32, #tpu.memory_space<vmem>> -> memref<128x64xf32, #tpu.memory_space<vmem>>
    %dma_wait3A_105 = arith.constant 0 : i32
    %dma_wait3A_106 = arith.constant 0 : i32
    %dma_wait3A_107 = tpu.memref_slice %arg4[%dma_wait3A_105, %dma_wait3A_106] : memref<819200x64xf32, #tpu.memory_space<hbm>> -> memref<128x64xf32, #tpu.memory_space<hbm>>
    %dma_wait3A_108 = tpu.memref_slice %arg8[%dma_wait3A_100] : memref<10x!tpu.dma_semaphore, #tpu.memory_space<semaphore_mem>> -> memref<1x!tpu.dma_semaphore, #tpu.memory_space<semaphore_mem>>
    %dma_wait3A_109 = tpu.memref_squeeze %dma_wait3A_108 : memref<1x!tpu.dma_semaphore, #tpu.memory_space<semaphore_mem>> -> memref<!tpu.dma_semaphore, #tpu.memory_space<semaphore_mem>>
    %dma_wait3A_110 = arith.constant 0 : i32
    %dma_wait3A_111 = arith.constant 0 : i32
    %dma_wait3A_112 = tpu.memref_slice %arg4[%dma_wait3A_110, %dma_wait3A_111] : memref<819200x64xf32, #tpu.memory_space<hbm>> -> memref<128x64xf32, #tpu.memory_space<hbm>>
    %dma_wait3A_113 = arith.constant 0 : i32
    %dma_wait3A_114 = arith.constant 0 : i32
    %dma_wait3A_115 = tpu.memref_slice %arg6[%dma_wait3A_99, %dma_wait3A_113, %dma_wait3A_114] : memref<10x128x64xf32, #tpu.memory_space<vmem>> -> memref<1x128x64xf32, #tpu.memory_space<vmem>>
    %dma_wait3A_116 = tpu.memref_squeeze %dma_wait3A_115 : memref<1x128x64xf32, #tpu.memory_space<vmem>> -> memref<128x64xf32, #tpu.memory_space<vmem>>
    tpu.wait_dma2 semaphore(%dma_wait3A_109 : memref<!tpu.dma_semaphore, #tpu.memory_space<semaphore_mem>>) src(%dma_wait3A_116 : memref<128x64xf32, #tpu.memory_space<vmem>>) dst(%dma_wait3A_112 : memref<128x64xf32, #tpu.memory_space<hbm>>)
    %dma_wait3A_117 = arith.constant 2 : i32
    %dma_wait3A_118 = arith.constant 2 : i32
    %dma_wait3A_119 = arith.constant 0 : i32
    %dma_wait3A_120 = arith.constant 0 : i32
    %dma_wait3A_121 = tpu.memref_slice %arg6[%dma_wait3A_117, %dma_wait3A_119, %dma_wait3A_120] : memref<10x128x64xf32, #tpu.memory_space<vmem>> -> memref<1x128x64xf32, #tpu.memory_space<vmem>>
    %dma_wait3A_122 = tpu.memref_squeeze %dma_wait3A_121 : memref<1x128x64xf32, #tpu.memory_space<vmem>> -> memref<128x64xf32, #tpu.memory_space<vmem>>
    %dma_wait3A_123 = arith.constant 0 : i32
    %dma_wait3A_124 = arith.constant 0 : i32
    %dma_wait3A_125 = tpu.memref_slice %arg4[%dma_wait3A_123, %dma_wait3A_124] : memref<819200x64xf32, #tpu.memory_space<hbm>> -> memref<128x64xf32, #tpu.memory_space<hbm>>
    %dma_wait3A_126 = tpu.memref_slice %arg8[%dma_wait3A_118] : memref<10x!tpu.dma_semaphore, #tpu.memory_space<semaphore_mem>> -> memref<1x!tpu.dma_semaphore, #tpu.memory_space<semaphore_mem>>
    %dma_wait3A_127 = tpu.memref_squeeze %dma_wait3A_126 : memref<1x!tpu.dma_semaphore, #tpu.memory_space<semaphore_mem>> -> memref<!tpu.dma_semaphore, #tpu.memory_space<semaphore_mem>>
    %dma_wait3A_128 = arith.constant 0 : i32
    %dma_wait3A_129 = arith.constant 0 : i32
    %dma_wait3A_130 = tpu.memref_slice %arg4[%dma_wait3A_128, %dma_wait3A_129] : memref<819200x64xf32, #tpu.memory_space<hbm>> -> memref<128x64xf32, #tpu.memory_space<hbm>>
    %dma_wait3A_131 = arith.constant 0 : i32
    %dma_wait3A_132 = arith.constant 0 : i32
    %dma_wait3A_133 = tpu.memref_slice %arg6[%dma_wait3A_117, %dma_wait3A_131, %dma_wait3A_132] : memref<10x128x64xf32, #tpu.memory_space<vmem>> -> memref<1x128x64xf32, #tpu.memory_space<vmem>>
    %dma_wait3A_134 = tpu.memref_squeeze %dma_wait3A_133 : memref<1x128x64xf32, #tpu.memory_space<vmem>> -> memref<128x64xf32, #tpu.memory_space<vmem>>
    tpu.wait_dma2 semaphore(%dma_wait3A_127 : memref<!tpu.dma_semaphore, #tpu.memory_space<semaphore_mem>>) src(%dma_wait3A_134 : memref<128x64xf32, #tpu.memory_space<vmem>>) dst(%dma_wait3A_130 : memref<128x64xf32, #tpu.memory_space<hbm>>)
    %dma_wait3A_135 = arith.constant 3 : i32
    %dma_wait3A_136 = arith.constant 3 : i32
    %dma_wait3A_137 = arith.constant 0 : i32
    %dma_wait3A_138 = arith.constant 0 : i32
    %dma_wait3A_139 = tpu.memref_slice %arg6[%dma_wait3A_135, %dma_wait3A_137, %dma_wait3A_138] : memref<10x128x64xf32, #tpu.memory_space<vmem>> -> memref<1x128x64xf32, #tpu.memory_space<vmem>>
    %dma_wait3A_140 = tpu.memref_squeeze %dma_wait3A_139 : memref<1x128x64xf32, #tpu.memory_space<vmem>> -> memref<128x64xf32, #tpu.memory_space<vmem>>
    %dma_wait3A_141 = arith.constant 0 : i32
    %dma_wait3A_142 = arith.constant 0 : i32
    %dma_wait3A_143 = tpu.memref_slice %arg4[%dma_wait3A_141, %dma_wait3A_142] : memref<819200x64xf32, #tpu.memory_space<hbm>> -> memref<128x64xf32, #tpu.memory_space<hbm>>
    %dma_wait3A_144 = tpu.memref_slice %arg8[%dma_wait3A_136] : memref<10x!tpu.dma_semaphore, #tpu.memory_space<semaphore_mem>> -> memref<1x!tpu.dma_semaphore, #tpu.memory_space<semaphore_mem>>
    %dma_wait3A_145 = tpu.memref_squeeze %dma_wait3A_144 : memref<1x!tpu.dma_semaphore, #tpu.memory_space<semaphore_mem>> -> memref<!tpu.dma_semaphore, #tpu.memory_space<semaphore_mem>>
    %dma_wait3A_146 = arith.constant 0 : i32
    %dma_wait3A_147 = arith.constant 0 : i32
    %dma_wait3A_148 = tpu.memref_slice %arg4[%dma_wait3A_146, %dma_wait3A_147] : memref<819200x64xf32, #tpu.memory_space<hbm>> -> memref<128x64xf32, #tpu.memory_space<hbm>>
    %dma_wait3A_149 = arith.constant 0 : i32
    %dma_wait3A_150 = arith.constant 0 : i32
    %dma_wait3A_151 = tpu.memref_slice %arg6[%dma_wait3A_135, %dma_wait3A_149, %dma_wait3A_150] : memref<10x128x64xf32, #tpu.memory_space<vmem>> -> memref<1x128x64xf32, #tpu.memory_space<vmem>>
    %dma_wait3A_152 = tpu.memref_squeeze %dma_wait3A_151 : memref<1x128x64xf32, #tpu.memory_space<vmem>> -> memref<128x64xf32, #tpu.memory_space<vmem>>
    tpu.wait_dma2 semaphore(%dma_wait3A_145 : memref<!tpu.dma_semaphore, #tpu.memory_space<semaphore_mem>>) src(%dma_wait3A_152 : memref<128x64xf32, #tpu.memory_space<vmem>>) dst(%dma_wait3A_148 : memref<128x64xf32, #tpu.memory_space<hbm>>)
    %dma_wait3A_153 = arith.constant 4 : i32
    %dma_wait3A_154 = arith.constant 4 : i32
    %dma_wait3A_155 = arith.constant 0 : i32
    %dma_wait3A_156 = arith.constant 0 : i32
    %dma_wait3A_157 = tpu.memref_slice %arg6[%dma_wait3A_153, %dma_wait3A_155, %dma_wait3A_156] : memref<10x128x64xf32, #tpu.memory_space<vmem>> -> memref<1x128x64xf32, #tpu.memory_space<vmem>>
    %dma_wait3A_158 = tpu.memref_squeeze %dma_wait3A_157 : memref<1x128x64xf32, #tpu.memory_space<vmem>> -> memref<128x64xf32, #tpu.memory_space<vmem>>
    %dma_wait3A_159 = arith.constant 0 : i32
    %dma_wait3A_160 = arith.constant 0 : i32
    %dma_wait3A_161 = tpu.memref_slice %arg4[%dma_wait3A_159, %dma_wait3A_160] : memref<819200x64xf32, #tpu.memory_space<hbm>> -> memref<128x64xf32, #tpu.memory_space<hbm>>
    %dma_wait3A_162 = tpu.memref_slice %arg8[%dma_wait3A_154] : memref<10x!tpu.dma_semaphore, #tpu.memory_space<semaphore_mem>> -> memref<1x!tpu.dma_semaphore, #tpu.memory_space<semaphore_mem>>
    %dma_wait3A_163 = tpu.memref_squeeze %dma_wait3A_162 : memref<1x!tpu.dma_semaphore, #tpu.memory_space<semaphore_mem>> -> memref<!tpu.dma_semaphore, #tpu.memory_space<semaphore_mem>>
    %dma_wait3A_164 = arith.constant 0 : i32
    %dma_wait3A_165 = arith.constant 0 : i32
    %dma_wait3A_166 = tpu.memref_slice %arg4[%dma_wait3A_164, %dma_wait3A_165] : memref<819200x64xf32, #tpu.memory_space<hbm>> -> memref<128x64xf32, #tpu.memory_space<hbm>>
    %dma_wait3A_167 = arith.constant 0 : i32
    %dma_wait3A_168 = arith.constant 0 : i32
    %dma_wait3A_169 = tpu.memref_slice %arg6[%dma_wait3A_153, %dma_wait3A_167, %dma_wait3A_168] : memref<10x128x64xf32, #tpu.memory_space<vmem>> -> memref<1x128x64xf32, #tpu.memory_space<vmem>>
    %dma_wait3A_170 = tpu.memref_squeeze %dma_wait3A_169 : memref<1x128x64xf32, #tpu.memory_space<vmem>> -> memref<128x64xf32, #tpu.memory_space<vmem>>
    tpu.wait_dma2 semaphore(%dma_wait3A_163 : memref<!tpu.dma_semaphore, #tpu.memory_space<semaphore_mem>>) src(%dma_wait3A_170 : memref<128x64xf32, #tpu.memory_space<vmem>>) dst(%dma_wait3A_166 : memref<128x64xf32, #tpu.memory_space<hbm>>)
    %dma_wait3A_171 = arith.constant 5 : i32
    %dma_wait3A_172 = arith.constant 5 : i32
    %dma_wait3A_173 = arith.constant 0 : i32
    %dma_wait3A_174 = arith.constant 0 : i32
    %dma_wait3A_175 = tpu.memref_slice %arg6[%dma_wait3A_171, %dma_wait3A_173, %dma_wait3A_174] : memref<10x128x64xf32, #tpu.memory_space<vmem>> -> memref<1x128x64xf32, #tpu.memory_space<vmem>>
    %dma_wait3A_176 = tpu.memref_squeeze %dma_wait3A_175 : memref<1x128x64xf32, #tpu.memory_space<vmem>> -> memref<128x64xf32, #tpu.memory_space<vmem>>
    %dma_wait3A_177 = arith.constant 0 : i32
    %dma_wait3A_178 = arith.constant 0 : i32
    %dma_wait3A_179 = tpu.memref_slice %arg4[%dma_wait3A_177, %dma_wait3A_178] : memref<819200x64xf32, #tpu.memory_space<hbm>> -> memref<128x64xf32, #tpu.memory_space<hbm>>
    %dma_wait3A_180 = tpu.memref_slice %arg8[%dma_wait3A_172] : memref<10x!tpu.dma_semaphore, #tpu.memory_space<semaphore_mem>> -> memref<1x!tpu.dma_semaphore, #tpu.memory_space<semaphore_mem>>
    %dma_wait3A_181 = tpu.memref_squeeze %dma_wait3A_180 : memref<1x!tpu.dma_semaphore, #tpu.memory_space<semaphore_mem>> -> memref<!tpu.dma_semaphore, #tpu.memory_space<semaphore_mem>>
    %dma_wait3A_182 = arith.constant 0 : i32
    %dma_wait3A_183 = arith.constant 0 : i32
    %dma_wait3A_184 = tpu.memref_slice %arg4[%dma_wait3A_182, %dma_wait3A_183] : memref<819200x64xf32, #tpu.memory_space<hbm>> -> memref<128x64xf32, #tpu.memory_space<hbm>>
    %dma_wait3A_185 = arith.constant 0 : i32
    %dma_wait3A_186 = arith.constant 0 : i32
    %dma_wait3A_187 = tpu.memref_slice %arg6[%dma_wait3A_171, %dma_wait3A_185, %dma_wait3A_186] : memref<10x128x64xf32, #tpu.memory_space<vmem>> -> memref<1x128x64xf32, #tpu.memory_space<vmem>>
    %dma_wait3A_188 = tpu.memref_squeeze %dma_wait3A_187 : memref<1x128x64xf32, #tpu.memory_space<vmem>> -> memref<128x64xf32, #tpu.memory_space<vmem>>
    tpu.wait_dma2 semaphore(%dma_wait3A_181 : memref<!tpu.dma_semaphore, #tpu.memory_space<semaphore_mem>>) src(%dma_wait3A_188 : memref<128x64xf32, #tpu.memory_space<vmem>>) dst(%dma_wait3A_184 : memref<128x64xf32, #tpu.memory_space<hbm>>)
    %dma_wait3A_189 = arith.constant 6 : i32
    %dma_wait3A_190 = arith.constant 6 : i32
    %dma_wait3A_191 = arith.constant 0 : i32
    %dma_wait3A_192 = arith.constant 0 : i32
    %dma_wait3A_193 = tpu.memref_slice %arg6[%dma_wait3A_189, %dma_wait3A_191, %dma_wait3A_192] : memref<10x128x64xf32, #tpu.memory_space<vmem>> -> memref<1x128x64xf32, #tpu.memory_space<vmem>>
    %dma_wait3A_194 = tpu.memref_squeeze %dma_wait3A_193 : memref<1x128x64xf32, #tpu.memory_space<vmem>> -> memref<128x64xf32, #tpu.memory_space<vmem>>
    %dma_wait3A_195 = arith.constant 0 : i32
    %dma_wait3A_196 = arith.constant 0 : i32
    %dma_wait3A_197 = tpu.memref_slice %arg4[%dma_wait3A_195, %dma_wait3A_196] : memref<819200x64xf32, #tpu.memory_space<hbm>> -> memref<128x64xf32, #tpu.memory_space<hbm>>
    %dma_wait3A_198 = tpu.memref_slice %arg8[%dma_wait3A_190] : memref<10x!tpu.dma_semaphore, #tpu.memory_space<semaphore_mem>> -> memref<1x!tpu.dma_semaphore, #tpu.memory_space<semaphore_mem>>
    %dma_wait3A_199 = tpu.memref_squeeze %dma_wait3A_198 : memref<1x!tpu.dma_semaphore, #tpu.memory_space<semaphore_mem>> -> memref<!tpu.dma_semaphore, #tpu.memory_space<semaphore_mem>>
    %dma_wait3A_200 = arith.constant 0 : i32
    %dma_wait3A_201 = arith.constant 0 : i32
    %dma_wait3A_202 = tpu.memref_slice %arg4[%dma_wait3A_200, %dma_wait3A_201] : memref<819200x64xf32, #tpu.memory_space<hbm>> -> memref<128x64xf32, #tpu.memory_space<hbm>>
    %dma_wait3A_203 = arith.constant 0 : i32
    %dma_wait3A_204 = arith.constant 0 : i32
    %dma_wait3A_205 = tpu.memref_slice %arg6[%dma_wait3A_189, %dma_wait3A_203, %dma_wait3A_204] : memref<10x128x64xf32, #tpu.memory_space<vmem>> -> memref<1x128x64xf32, #tpu.memory_space<vmem>>
    %dma_wait3A_206 = tpu.memref_squeeze %dma_wait3A_205 : memref<1x128x64xf32, #tpu.memory_space<vmem>> -> memref<128x64xf32, #tpu.memory_space<vmem>>
    tpu.wait_dma2 semaphore(%dma_wait3A_199 : memref<!tpu.dma_semaphore, #tpu.memory_space<semaphore_mem>>) src(%dma_wait3A_206 : memref<128x64xf32, #tpu.memory_space<vmem>>) dst(%dma_wait3A_202 : memref<128x64xf32, #tpu.memory_space<hbm>>)
    %dma_wait3A_207 = arith.constant 7 : i32
    %dma_wait3A_208 = arith.constant 7 : i32
    %dma_wait3A_209 = arith.constant 0 : i32
    %dma_wait3A_210 = arith.constant 0 : i32
    %dma_wait3A_211 = tpu.memref_slice %arg6[%dma_wait3A_207, %dma_wait3A_209, %dma_wait3A_210] : memref<10x128x64xf32, #tpu.memory_space<vmem>> -> memref<1x128x64xf32, #tpu.memory_space<vmem>>
    %dma_wait3A_212 = tpu.memref_squeeze %dma_wait3A_211 : memref<1x128x64xf32, #tpu.memory_space<vmem>> -> memref<128x64xf32, #tpu.memory_space<vmem>>
    %dma_wait3A_213 = arith.constant 0 : i32
    %dma_wait3A_214 = arith.constant 0 : i32
    %dma_wait3A_215 = tpu.memref_slice %arg4[%dma_wait3A_213, %dma_wait3A_214] : memref<819200x64xf32, #tpu.memory_space<hbm>> -> memref<128x64xf32, #tpu.memory_space<hbm>>
    %dma_wait3A_216 = tpu.memref_slice %arg8[%dma_wait3A_208] : memref<10x!tpu.dma_semaphore, #tpu.memory_space<semaphore_mem>> -> memref<1x!tpu.dma_semaphore, #tpu.memory_space<semaphore_mem>>
    %dma_wait3A_217 = tpu.memref_squeeze %dma_wait3A_216 : memref<1x!tpu.dma_semaphore, #tpu.memory_space<semaphore_mem>> -> memref<!tpu.dma_semaphore, #tpu.memory_space<semaphore_mem>>
    %dma_wait3A_218 = arith.constant 0 : i32
    %dma_wait3A_219 = arith.constant 0 : i32
    %dma_wait3A_220 = tpu.memref_slice %arg4[%dma_wait3A_218, %dma_wait3A_219] : memref<819200x64xf32, #tpu.memory_space<hbm>> -> memref<128x64xf32, #tpu.memory_space<hbm>>
    %dma_wait3A_221 = arith.constant 0 : i32
    %dma_wait3A_222 = arith.constant 0 : i32
    %dma_wait3A_223 = tpu.memref_slice %arg6[%dma_wait3A_207, %dma_wait3A_221, %dma_wait3A_222] : memref<10x128x64xf32, #tpu.memory_space<vmem>> -> memref<1x128x64xf32, #tpu.memory_space<vmem>>
    %dma_wait3A_224 = tpu.memref_squeeze %dma_wait3A_223 : memref<1x128x64xf32, #tpu.memory_space<vmem>> -> memref<128x64xf32, #tpu.memory_space<vmem>>
    tpu.wait_dma2 semaphore(%dma_wait3A_217 : memref<!tpu.dma_semaphore, #tpu.memory_space<semaphore_mem>>) src(%dma_wait3A_224 : memref<128x64xf32, #tpu.memory_space<vmem>>) dst(%dma_wait3A_220 : memref<128x64xf32, #tpu.memory_space<hbm>>)
    %dma_wait3A_225 = arith.constant 8 : i32
    %dma_wait3A_226 = arith.constant 8 : i32
    %dma_wait3A_227 = arith.constant 0 : i32
    %dma_wait3A_228 = arith.constant 0 : i32
    %dma_wait3A_229 = tpu.memref_slice %arg6[%dma_wait3A_225, %dma_wait3A_227, %dma_wait3A_228] : memref<10x128x64xf32, #tpu.memory_space<vmem>> -> memref<1x128x64xf32, #tpu.memory_space<vmem>>
    %dma_wait3A_230 = tpu.memref_squeeze %dma_wait3A_229 : memref<1x128x64xf32, #tpu.memory_space<vmem>> -> memref<128x64xf32, #tpu.memory_space<vmem>>
    %dma_wait3A_231 = arith.constant 0 : i32
    %dma_wait3A_232 = arith.constant 0 : i32
    %dma_wait3A_233 = tpu.memref_slice %arg4[%dma_wait3A_231, %dma_wait3A_232] : memref<819200x64xf32, #tpu.memory_space<hbm>> -> memref<128x64xf32, #tpu.memory_space<hbm>>
    %dma_wait3A_234 = tpu.memref_slice %arg8[%dma_wait3A_226] : memref<10x!tpu.dma_semaphore, #tpu.memory_space<semaphore_mem>> -> memref<1x!tpu.dma_semaphore, #tpu.memory_space<semaphore_mem>>
    %dma_wait3A_235 = tpu.memref_squeeze %dma_wait3A_234 : memref<1x!tpu.dma_semaphore, #tpu.memory_space<semaphore_mem>> -> memref<!tpu.dma_semaphore, #tpu.memory_space<semaphore_mem>>
    %dma_wait3A_236 = arith.constant 0 : i32
    %dma_wait3A_237 = arith.constant 0 : i32
    %dma_wait3A_238 = tpu.memref_slice %arg4[%dma_wait3A_236, %dma_wait3A_237] : memref<819200x64xf32, #tpu.memory_space<hbm>> -> memref<128x64xf32, #tpu.memory_space<hbm>>
    %dma_wait3A_239 = arith.constant 0 : i32
    %dma_wait3A_240 = arith.constant 0 : i32
    %dma_wait3A_241 = tpu.memref_slice %arg6[%dma_wait3A_225, %dma_wait3A_239, %dma_wait3A_240] : memref<10x128x64xf32, #tpu.memory_space<vmem>> -> memref<1x128x64xf32, #tpu.memory_space<vmem>>
    %dma_wait3A_242 = tpu.memref_squeeze %dma_wait3A_241 : memref<1x128x64xf32, #tpu.memory_space<vmem>> -> memref<128x64xf32, #tpu.memory_space<vmem>>
    tpu.wait_dma2 semaphore(%dma_wait3A_235 : memref<!tpu.dma_semaphore, #tpu.memory_space<semaphore_mem>>) src(%dma_wait3A_242 : memref<128x64xf32, #tpu.memory_space<vmem>>) dst(%dma_wait3A_238 : memref<128x64xf32, #tpu.memory_space<hbm>>)
    %dma_wait3A_243 = arith.constant 9 : i32
    %dma_wait3A_244 = arith.constant 9 : i32
    %dma_wait3A_245 = arith.constant 0 : i32
    %dma_wait3A_246 = arith.constant 0 : i32
    %dma_wait3A_247 = tpu.memref_slice %arg6[%dma_wait3A_243, %dma_wait3A_245, %dma_wait3A_246] : memref<10x128x64xf32, #tpu.memory_space<vmem>> -> memref<1x128x64xf32, #tpu.memory_space<vmem>>
    %dma_wait3A_248 = tpu.memref_squeeze %dma_wait3A_247 : memref<1x128x64xf32, #tpu.memory_space<vmem>> -> memref<128x64xf32, #tpu.memory_space<vmem>>
    %dma_wait3A_249 = arith.constant 0 : i32
    %dma_wait3A_250 = arith.constant 0 : i32
    %dma_wait3A_251 = tpu.memref_slice %arg4[%dma_wait3A_249, %dma_wait3A_250] : memref<819200x64xf32, #tpu.memory_space<hbm>> -> memref<128x64xf32, #tpu.memory_space<hbm>>
    %dma_wait3A_252 = tpu.memref_slice %arg8[%dma_wait3A_244] : memref<10x!tpu.dma_semaphore, #tpu.memory_space<semaphore_mem>> -> memref<1x!tpu.dma_semaphore, #tpu.memory_space<semaphore_mem>>
    %dma_wait3A_253 = tpu.memref_squeeze %dma_wait3A_252 : memref<1x!tpu.dma_semaphore, #tpu.memory_space<semaphore_mem>> -> memref<!tpu.dma_semaphore, #tpu.memory_space<semaphore_mem>>
    %dma_wait3A_254 = arith.constant 0 : i32
    %dma_wait3A_255 = arith.constant 0 : i32
    %dma_wait3A_256 = tpu.memref_slice %arg4[%dma_wait3A_254, %dma_wait3A_255] : memref<819200x64xf32, #tpu.memory_space<hbm>> -> memref<128x64xf32, #tpu.memory_space<hbm>>
    %dma_wait3A_257 = arith.constant 0 : i32
    %dma_wait3A_258 = arith.constant 0 : i32
    %dma_wait3A_259 = tpu.memref_slice %arg6[%dma_wait3A_243, %dma_wait3A_257, %dma_wait3A_258] : memref<10x128x64xf32, #tpu.memory_space<vmem>> -> memref<1x128x64xf32, #tpu.memory_space<vmem>>
    %dma_wait3A_260 = tpu.memref_squeeze %dma_wait3A_259 : memref<1x128x64xf32, #tpu.memory_space<vmem>> -> memref<128x64xf32, #tpu.memory_space<vmem>>
    tpu.wait_dma2 semaphore(%dma_wait3A_253 : memref<!tpu.dma_semaphore, #tpu.memory_space<semaphore_mem>>) src(%dma_wait3A_260 : memref<128x64xf32, #tpu.memory_space<vmem>>) dst(%dma_wait3A_256 : memref<128x64xf32, #tpu.memory_space<hbm>>)
    return
  }
}

</mosaic_0001>

<sc_bundles>
// kernel: kernel.3.cloned.1.call-start
scs
__scs_entry_jumppad:
0x0: {  	(pc) =	sbr.rel $0x88, $3  }
0x1: {  	(tag) =	ssettag $0x0;
	lr =	simm.s32 $0x1  }
0x2: {  	[smem:$0x3F9F] =	sst lr;
	_ =	strace $0xD0000000  }
0x3: {  	_ = 	snop  }
0x4: {  	_ = 	snop  }
0x5: {  	_ = 	snop  }
0x6: {  	_ = 	snop  }
0x7: {  	_ = 	snop  }
__scs_overlays_trampoline_lowered:
0x8: {  	[smem:$0x3FAE] =	sst s0  }
0x9: {  	[smem:$0x3FAF] =	sst s1  }
0xa: {  	[smem:$0x3FB0] =	sst s2  }
0xb: {  	[smem:$0x3FB1] =	sst s3  }
0xc: {  	[smem:$0x3FB2] =	sst s4  }
0xd: {  	[smem:$0x3FB3] =	sst s5  }
0xe: {  	[smem:$0x3FB4] =	sst s6  }
0xf: {  	[smem:$0x3FB5] =	sst s7  }
0x10: {  	[smem:$0x3FB6] =	sst s8  }
0x11: {  	[smem:$0x3FB7] =	sst s9;
	s0 =	simm.s32 @!p0 $0x0  }
0x12: {  	s1 =	sld [smem:$0x3F9D];
	s0 =	simm.s32 @p0 $0x1  }
0x13: {  	[smem:$0x3FB8] =	sst s0;
	s0 =	simm.s32 @!p1 $0x0  }
0x14: {  	s2 =	sld [smem:$0x3F9C];
	s0 =	simm.s32 @p1 $0x1  }
0x15: {  	[smem:$0x3FB9] =	sst s0;
	s0 =	simm.s32 @!p2 $0x0  }
0x16: {  	s3 =	sld [smem:$0x3FDB];
	s0 =	simm.s32 @p2 $0x1  }
0x17: {  	s4 =	simm.s32 $0x1BF5;
	[smem:$0x3FBB] =	sst s0  }
0x18: {  	s0 =	sld [smem:$0x3F9E];
	_ =	swait.ge [sflag:s4], $0x0  }
0x19: {  	s7 =	sld [smem:$0x3F9F]  }
0x1a: {  	s8 =	sadd.s32 $0xFFFFE003, lr  }
0x1b: {  	s9 =	sadd.s32 $0xFFFFFEF7, lr;
	s5 =	simm.s32 $0xFFFFFFFF;
	p2 =	slt.u32 s8, $0xFFFFF086  }
0x1c: {  	p1 =	slt.u32 s9, $0xF7A;
	s5 =	simm.s32 @!p2 $0x0  }
0x1d: {  	s5 =	simm.s32 @p1 $0x1;
	p0 =	seq.s32 s7, s2  }
0x1e: {  	s7 =	smul.u32 @!p0 $0xF7A, s2;
	p2 =	seq.s32 @!p0 s5, $0x0  }
0x1f: {  	s9 =	smul.u32 $0xF7A, s1;
	s8 =	simm.s32 @!p0 $0x1BF5;
	p2 =	por !p2, p0  }
0x20: {  	[sflag:s8] =	ssyncset.s32 @!p0 $0xFFFFF086;
	s6 =	sadd.s32 @!p0 s3, s7;
	s7 =	simm.s32 @!p0 $0x108  }
0x21: {  	s3 =	sadd.s32 s3, s9;
	s6 =	sadd.s32 @!p0 $0x88, s6;
	s7 =	simm.s32 @p2 $0x1082  }
0x22: {  	[simem:s7], [sflag:s8] =	dma.local @!p0 [hbm:s6], $0xF7A  }
0x23: {  	s9 =	sor.u32 $0xD0000000, s2;
	s6 =	simm.s32 $0x108;
	_ =	swait.ge @!p0 [sflag:s8], $0x0  }
0x24: {  	s3 =	sadd.s32 $0x88, s3;
	s6 =	simm.s32 @!p1 $0x1082;
	[sflag:s4] =	ssyncset.s32 $0xFFFFF086  }
0x25: {  	[simem:s6], [sflag:s4] =	dma.local [hbm:s3], $0xF7A  }
0x26: {  	[smem:$0x3F9F] =	sst s1;
	(tag) =	ssettag s2;
	_ =	strace s9  }
0x27: {  	s1 =	sld [smem:$0x3FAF]  }
0x28: {  	s2 =	sld [smem:$0x3FB0]  }
0x29: {  	s4 =	sld [smem:$0x3FB2]  }
0x2a: {  	p0 =	seq.s32 s5, $0x0;
	s5 =	sld [smem:$0x3FB3]  }
0x2b: {  	s6 =	sld [smem:$0x3FB4]  }
0x2c: {  	s7 =	sld [smem:$0x3FB5]  }
0x2d: {  	s3 =	simm.s32 $0x108;
	s8 =	sld [smem:$0x3FB6]  }
0x2e: {  	s3 =	simm.s32 @!p0 $0x1082;
	s9 =	sld [smem:$0x3FB7]  }
0x2f: {  	lr =	sadd.s32 s0, s3;
	s0 =	sld [smem:$0x3FAE]  }
0x30: {  	s3 =	sld [smem:$0x3FB1]  }
0x31: {  	[smem:$0x3FBA] =	sst s10  }
0x32: {  	s10 =	sld [smem:$0x3FB8];
	_ =	sdelay $0x3  }
0x33: {  	p0 =	seq.s32 s10, $0x1;
	s10 =	sld [smem:$0x3FBA];
	_ =	sdelay $0x3  }
0x34: {  	[smem:$0x3FBA] =	sst s10  }
0x35: {  	s10 =	sld [smem:$0x3FB9];
	_ =	sdelay $0x3  }
0x36: {  	p1 =	seq.s32 s10, $0x1;
	s10 =	sld [smem:$0x3FBA];
	_ =	sdelay $0x3  }
0x37: {  	[smem:$0x3FBA] =	sst s10  }
0x38: {  	s10 =	sld [smem:$0x3FBB]  }
0x39: {  	_ = 	snop;
	(pc) =	sbr.ind lr, $3  }
0x3a: {  	_ = 	snop  }
0x3b: {  	_ = 	snop  }
0x3c: {  	p2 =	seq.s32 s10, $0x1;
	s10 =	sld [smem:$0x3FBA]  }
0x3d: {  	_ =	shalt  }
0x3e: {  	_ =	shalt  }
0x3f: {  	_ =	shalt  }
0x40: {  	_ =	shalt  }
0x41: {  	_ =	shalt  }
0x42: {  	_ =	shalt  }
0x43: {  	_ =	shalt  }
0x44: {  	_ =	shalt  }
0x45: {  	_ =	shalt  }
0x46: {  	_ =	shalt  }
0x47: {  	_ =	shalt  }
0x48: {  	_ =	shalt  }
0x49: {  	_ =	shalt  }
0x4a: {  	_ =	shalt  }
0x4b: {  	_ =	shalt  }
0x4c: {  	_ =	shalt  }
0x4d: {  	_ =	shalt  }
0x4e: {  	_ =	shalt  }
0x4f: {  	_ =	shalt  }
0x50: {  	_ =	shalt  }
0x51: {  	_ =	shalt  }
0x52: {  	_ =	shalt  }
0x53: {  	_ =	shalt  }
0x54: {  	_ =	shalt  }
0x55: {  	_ =	shalt  }
0x56: {  	_ =	shalt  }
0x57: {  	_ =	shalt  }
0x58: {  	_ =	shalt  }
0x59: {  	_ =	shalt  }
0x5a: {  	_ =	shalt  }
0x5b: {  	_ =	shalt  }
0x5c: {  	_ =	shalt  }
0x5d: {  	_ =	shalt  }
0x5e: {  	_ =	shalt  }
0x5f: {  	_ =	shalt  }
0x60: {  	_ =	shalt  }
0x61: {  	_ =	shalt  }
0x62: {  	_ =	shalt  }
0x63: {  	_ =	shalt  }
0x64: {  	_ =	shalt  }
0x65: {  	_ =	shalt  }
0x66: {  	_ =	shalt  }
0x67: {  	_ =	shalt  }
0x68: {  	_ =	shalt  }
0x69: {  	_ =	shalt  }
0x6a: {  	_ =	shalt  }
0x6b: {  	_ =	shalt  }
0x6c: {  	_ =	shalt  }
0x6d: {  	_ =	shalt  }
0x6e: {  	_ =	shalt  }
0x6f: {  	_ =	shalt  }
0x70: {  	_ =	shalt  }
0x71: {  	_ =	shalt  }
0x72: {  	_ =	shalt  }
0x73: {  	_ =	shalt  }
0x74: {  	_ =	shalt  }
0x75: {  	_ =	shalt  }
0x76: {  	_ =	shalt  }
0x77: {  	_ =	shalt  }
0x78: {  	_ =	shalt  }
0x79: {  	_ =	shalt  }
0x7a: {  	_ =	shalt  }
0x7b: {  	_ =	shalt  }
0x7c: {  	_ =	shalt  }
0x7d: {  	_ =	shalt  }
0x7e: {  	_ =	shalt  }
0x7f: {  	_ =	shalt  }
0x80: {  	_ =	shalt  }
0x81: {  	_ =	shalt  }
0x82: {  	_ =	shalt  }
0x83: {  	_ =	shalt  }
0x84: {  	_ =	shalt  }
0x85: {  	_ =	shalt  }
0x86: {  	_ =	shalt  }
0x87: {  	_ =	shalt  }
.Lfunc_end0:
.L_simem_size_0:
called_computation.1_lowered:
.L_overlay_start_0:
0x88: {  	s2 =	sld [smem:$0x3FD9]  }
0x89: {  	s3 =	sld [smem:$0x3FFE];
	_ =	sdelay $0x1  }
0x8a: {  	s1 =	srdreg.scid  }
0x8b: {  	s0 =	sand.u32 $0x1, s1  }
0x8c: {  	s17 =	sshll.u32 s0, $0xA;
	s2 =	sadd.s32 s3, s2  }
0x8d: {  	s2 =	sadd.s32 s2, s17  }
0x8e: {  	[smem:$0x3FC6] =	sst s2  }
0x8f: {  	_ = 	snop  }
0x90: {  	s2 =	sld [smem:$0x3FD0];
	(tm) =	ssettm $0x1  }
0x91: {  	s18 =	sld [smem:$0x3FFB];
	_ =	sdelay $0x3  }
0x92: {  	_ =	strace s18  }
0x93: {  	s3 =	sld [smem:$0x3FFC];
	_ =	sdelay $0x3  }
0x94: {  	_ =	strace s3  }
0x95: {  	s3 =	sld [smem:$0x3FFD];
	_ =	sdelay $0x3  }
0x96: {  	_ =	strace s3  }
0x97: {  	_ =	strace $0x8FFFFFFF  }
0x98: {  	s19 =	sld [smem:$0x3FDB];
	_ =	sdelay $0x1  }
0x99: {  	s4 =	simm.s32 $_scs_section_size  }
0x9a: {  	s5 =	simm.s32 $_size__tile_overlayer_lowered;
	s6 =	simm.s32 $_tile_overlayer_lowered  }
0x9b: {  	s22 =	simm.s32 $0x1BFF;
	s21 =	sshll.u32 s6, $0x1;
	s3 =	sadd.s32 s4, s19  }
0x9c: {  	s7 =	simm.s32 $0x0;
	s20 =	sshll.u32 s5, $0x1;
	s5 =	sadd.s32 s21, s3  }
0x9d: {  	[timem:s7], [sflag:s22] =	dma.local [hbm:s5], s20  }
0x9e: {  	_ =	swait.ge [sflag:s22], s20  }
0x9f: {  	s4 =	ssub.s32 $0x0, s20;
	[sflag:s22] =	ssyncset.done $0x0  }
0xa0: {  	[sflag:s22] =	ssyncadd.s32 s4;
	_ =	sdelay $0x1  }
0xa1: {  	s23 =	simm.s32 $0x1B8B  }
0xa2: {  	_ =	swait.ge [sflag:s23], $0x1  }
0xa3: {  	[sflag:s23] =	ssyncset.done $0x0  }
0xa4: {  	s25 =	simm.s32 $0x1B8E;
	s24 =	sld [smem:$0x3FFE];
	[sflag:s23] =	ssyncadd.s32 $0xFFFFFFFF  }
0xa5: {  	s26 =	simm.s32 $execute0_lowered;
	[smem:$0x3FD2] =	sst s25  }
0xa6: {  	s5 =	sshll.u32 s26, $0x1;
	_ =	strace $0x80000046;
	[dreg:$0x1] =	wrdreg $0xFFFFFFFF  }
0xa7: {  	s28 =	simm.s32 $_size_execute0_lowered;
	s3 =	sadd.s32 s3, s5;
	[dreg:$0x0] =	wrdreg $0x0  }
0xa8: {  	s5 =	sshll.u32 s28, $0x1;
	[dreg:$0x2] =	wrdreg s3  }
0xa9: {  	[dreg:$0x3] =	wrdreg s5  }
0xaa: {  	[dreg:$0x4] =	wrdreg $0xC0  }
0xab: {  	_ =	task [dreg:s7], $0x5FFFF  }
0xac: {  	[dreg:$0x1] =	wrdreg $0xFFFFFFFF  }
0xad: {  	[dreg:$0x0] =	wrdreg $0x60  }
0xae: {  	[dreg:$0x2] =	wrdreg s24  }
0xaf: {  	[dreg:$0x3] =	wrdreg s2  }
0xb0: {  	[dreg:$0x4] =	wrdreg $0x9  }
0xb1: {  	_ =	task.clear_ibuf [dreg:s7], $0x5FFFF;
	_ =	strace $0x90000046  }
0xb2: {  	s29 =	simm.s32 $0x9;
	_ =	strace $0x80000048  }
0xb3: {  	_ =	swait.ge [sflag:s29], $0x1  }
0xb4: {  	[sflag:s29] =	ssyncadd.s32 $0xFFFFFFFF  }
0xb5: {  	_ =	strace $0x90000048  }
0xb6: {  	_ =	sfence  }
0xb7: {  	s30 =	sld [smem:$0x0];
	_ =	sdelay $0x2  }
0xb8: {  	s31 =	sshll.u32 s1, $0xD;
	s1 =	sshrl.u32 s1, $0x2  }
0xb9: {  	s3 =	sand.u32 $0x4000, s31;
	s1 =	sadd.s32 s1, s30  }
0xba: {  	s0 =	sor.u32 s3, s0;
	s1 =	sshll.u32 s1, $0x11  }
0xbb: {  	s0 =	sor.u32 s1, s0  }
0xbc: {  	s0 =	sadd.s32 $0x8F2B, s0  }
0xbd: {  	[sflag:s0] =	ssyncadd.remote.s32 $0x1  }
0xbe: {  	_ =	sfence.sel $0xFFFF  }
0xbf: {  	[dreg:$0x0] =	wrdreg $0xFFFFFFFF;
	(pc) =	sbr.abs _section_cstart, $3  }
0xc0: {  	[dreg:$0x1] =	wrdreg $0xFFFFFFFF  }
0xc1: {  	_ =	task.clear_ibuf [dreg:s7], $0x2FFFF;
	_ =	strace $0x9FFFFFFF  }
0xc2: {  	(tm) =	ssettm $0x7FFFFFFF  }
0xc3: {  	_ =	shalt  }
tec
execute0_lowered:
.L_overlay_start_1:
0x0: {  	(tag) =	ssettag $0x1  }
0x1: {  	s0 =	rddreg [dreg:$0x0];
	s9 =	stileid.u32  }
0x2: {  	s1 =	srdreg.scid;
	s6 =	smul.u32 $0xC800, s9  }
0x3: {  	s3 =	simm.s32 $0x0;
	s28 =	simm.s32 $0x1;
	s17 =	smul.u32 $0x320000, s9  }
0x4: {  	s29 =	simm.s32 $0x10400;
	s1 =	sand.u32 $0x1, s1;
	s22 =	smul.u32 $0x64000, s9  }
0x5: {  	s30 =	simm.s32 $0x2;
	s31 =	simm.s32 $0x12400;
	s8 =	smul.u32 $0x6400, s1  }
0x6: {  	s2 =	sshll.u32 s9, $0x1;
	[smem:$0x7FF] =	sst s3;
	s19 =	smul.u32 $0x190000, s1  }
0x7: {  	s2 =	sor.u32 s1, s2;
	s5 =	ssub.s32 $0x2, s1;
	s1 =	smul.u32 $0x32000, s1  }
0x8: {  	s4 =	sadd.s32 $0xF43000, s0;
	s2 =	smul.u32 $0x6400, s2;
	s7 =	sshrl.u32 s5, $0x1  }
0x9: {  	_ =	strace $0x80000047;
	s15 =	ssub.s32 s5, s7;
	s16 =	sadd.s32 s8, s6  }
0xa: {  	s1 =	sadd.s32 s1, s22;
	s2 =	sshrl.u32 s2, $0x3;
	s18 =	sshll.u32 s16, $0x3  }
0xb: {  	[dreg:$0x9] =	wrdreg s1;
	s2 =	sadd.s32 s2, s0;
	s0 =	smax.u32 s15, $0x1  }
0xc: {  	s9 =	simm.s32 $0x0;
	s20 =	sor.u32 $0x1000, s18;
	[dreg:$0x4] =	wrdreg s0  }
0xd: {  	s6 =	simm.s32 $0x7;
	s21 =	sor.u32 $0xC00, s18;
	[dreg:$0x5] =	wrdreg s20  }
0xe: {  	s22 =	simm.s32 $0xF;
	s23 =	sor.u32 $0x800, s18;
	[dreg:$0x6] =	wrdreg s21  }
0xf: {  	s1 =	simm.s32 $0x3;
	s2 =	sadd.s32 $0xA00, s2;
	[dreg:$0x7] =	wrdreg s23  }
0x10: {  	s0 =	sor.u32 $0x400, s18;
	s18 =	simm.s32 $0x80;
	s21 =	simm.s32 $0x16400  }
0x11: {  	s23 =	simm.s32 $0x5;
	s20 =	simm.s32 $0xA;
	[dreg:$0x3] =	wrdreg s2  }
0x12: {  	s2 =	sadd.s32 s19, s17;
	[dreg:$0x8] =	wrdreg s0;
	s17 =	simm.s32 $0x8  }
0x13: {  	s19 =	simm.s32 $0x9;
	s24 =	sadd.s32 $0x12000, s2;
	s5 =	sadd.s32 $0x10000, s2  }
.Ltmp0:
0x14: {  	s25 =	sor.u32 $0xE000, s2;
	s26 =	sor.u32 $0xC000, s2;
	(pc) =	sbr.rel .LBB2_1-.Ltmp0, $4  }
0x15: {  	s2 =	sor.u32 $0xA000, s2;
	s0 =	sshrl.u32 s24, $0x3;
	s13 =	sshrl.u32 s5, $0x3  }
0x16: {  	s14 =	sshrl.u32 s25, $0x3;
	s15 =	sshrl.u32 s26, $0x3;
	s16 =	sshrl.u32 s2, $0x3  }
0x17: {  	s26 =	simm.s32 $0xE400;
	s2 =	simm.s32 $0x4;
	s25 =	simm.s32 $0x18400  }
0x18: {  	s5 =	simm.s32 $0x6;
	[dreg:$0xa] =	wrdreg s0;
	s0 =	simm.s32 $0x14400  }
.LBB2_4:
0x19: {  	s7 =	simm.s32 $0xB  }
0x1a: {  	_ =	swait.ge [sflag:s7], $0x2000  }
0x1b: {  	[sflag:s7] =	ssyncset.done $0x0  }
0x1c: {  	s12 =	simm.s32 $0xC;
	[sflag:s7] =	ssyncadd.s32 $0xFFFFE000  }
0x1d: {  	_ =	swait.ge [sflag:s12], $0x2000  }
0x1e: {  	[sflag:s12] =	ssyncset.done $0x0  }
0x1f: {  	s24 =	simm.s32 $0xD;
	[sflag:s12] =	ssyncadd.s32 $0xFFFFE000  }
0x20: {  	_ =	swait.ge [sflag:s24], $0x2000  }
0x21: {  	[sflag:s24] =	ssyncset.done $0x0  }
0x22: {  	s8 =	simm.s32 $0xE;
	[sflag:s24] =	ssyncadd.s32 $0xFFFFE000  }
0x23: {  	_ =	swait.ge [sflag:s8], $0x2000  }
0x24: {  	[sflag:s8] =	ssyncset.done $0x0  }
0x25: {  	[sflag:s8] =	ssyncadd.s32 $0xFFFFE000  }
0x26: {  	_ =	swait.ge [sflag:s22], $0x2000  }
0x27: {  	[sflag:s22] =	ssyncset.done $0x0  }
0x28: {  	s9 =	simm.s32 $0x10;
	[sflag:s22] =	ssyncadd.s32 $0xFFFFE000  }
0x29: {  	_ =	swait.ge [sflag:s9], $0x2000  }
0x2a: {  	[sflag:s9] =	ssyncset.done $0x0  }
0x2b: {  	s10 =	simm.s32 $0x11;
	[sflag:s9] =	ssyncadd.s32 $0xFFFFE000  }
0x2c: {  	_ =	swait.ge [sflag:s10], $0x2000  }
0x2d: {  	[sflag:s10] =	ssyncset.done $0x0  }
0x2e: {  	s11 =	simm.s32 $0x12;
	[sflag:s10] =	ssyncadd.s32 $0xFFFFE000  }
0x2f: {  	_ =	swait.ge [sflag:s11], $0x2000  }
0x30: {  	[sflag:s11] =	ssyncset.done $0x0  }
0x31: {  	s12 =	simm.s32 $0x13;
	[sflag:s11] =	ssyncadd.s32 $0xFFFFE000  }
0x32: {  	_ =	swait.ge [sflag:s12], $0x2000  }
0x33: {  	[sflag:s12] =	ssyncset.done $0x0  }
0x34: {  	s8 =	simm.s32 $0x14;
	[sflag:s12] =	ssyncadd.s32 $0xFFFFE000  }
0x35: {  	_ =	swait.ge [sflag:s8], $0x2000  }
0x36: {  	s9 =	rddreg [dreg:$0xb]  }
0x37: {  	s24 =	rddreg [dreg:$0x4];
	s9 =	sadd.s32 $0x1, s9  }
0x38: {  	p0 =	sne.s32 s9, s24  }
.Ltmp1:
0x39: {  	_ = 	snop;
	(pc) =	sbr.rel @!p0 .LBB2_5-.Ltmp1, $3  }
0x3a: {  	_ =	sdelay $0x1  }
0x3b: {  	[sflag:s8] =	ssyncset.done $0x0  }
0x3c: {  	[sflag:s8] =	ssyncadd.s32 $0xFFFFE000  }
.LBB2_1:
0x3d: {  	[dreg:$0xb] =	wrdreg s9  }
0x3e: {  	s7 =	rddreg [dreg:$0x3];
	s24 =	simm.s32 $0x15  }
0x3f: {  	[tilespmem:s3], [sflag:$0x15] =	stream.linear.gather [hbm4b:s7+s3], $0x6400, $0x38;
	[tilespmem:$0x1A400] =	vst v63  }
0x40: {  	_ =	swait.ge [sflag:s24], $0x6400  }
0x41: {  	[sflag:s24] =	ssyncset.done $0x0  }
0x42: {  	s8 =	simm.s32 $0x6400;
	[sflag:s24] =	ssyncadd.s32 $0xFFFF9C00  }
0x43: {  	[tilespmem:s8], [sflag:$0x1] =	stream.indirect.gather [hbm4b:s4+s18], $0x40, s3, s18, $0xb8;
	[tilespmem:$0x1A400] =	vst v63  }
0x44: {  	s9 =	simm.s32 $0x8400  }
0x45: {  	[tilespmem:s9], [sflag:$0x2] =	stream.indirect.gather [hbm4b:s4+s18], $0x40, s18, s18, $0xb8;
	[tilespmem:$0x1A400] =	vst v63  }
0x46: {  	s10 =	simm.s32 $0x100;
	s8 =	simm.s32 $0xA400  }
0x47: {  	[tilespmem:s8], [sflag:$0x3] =	stream.indirect.gather [hbm4b:s4+s18], $0x40, s10, s18, $0xb8;
	[tilespmem:$0x1A400] =	vst v63  }
0x48: {  	s11 =	simm.s32 $0x180;
	s12 =	simm.s32 $0xC400  }
0x49: {  	[tilespmem:s12], [sflag:$0x4] =	stream.indirect.gather [hbm4b:s4+s18], $0x40, s11, s18, $0xb8;
	[tilespmem:$0x1A400] =	vst v63  }
0x4a: {  	s24 =	simm.s32 $0x200  }
0x4b: {  	[tilespmem:s26], [sflag:$0x5] =	stream.indirect.gather [hbm4b:s4+s18], $0x40, s24, s18, $0xb8;
	[tilespmem:$0x1A400] =	vst v63  }
0x4c: {  	s7 =	simm.s32 $0x0;
	s24 =	rddreg [dreg:$0x1]  }
.LBB2_2:
0x4d: {  	_ =	swait.ge [sflag:s28], $0x2000  }
0x4e: {  	s9 =	simm.s32 $0x6400;
	[sflag:s28] =	ssyncset.done $0x0;
	s8 =	rddreg [dreg:$0x9]  }
0x4f: {  	p0 =	seq.s32 s7, $0x0;
	[sflag:s28] =	ssyncadd.s32 $0xFFFFE000;
	s8 =	sadd.s32 s24, s8  }
0x50: {  	[hbm4b:s8+s3] =	stream.linear.scatter [tilespmem:s9], [sflag:$0xB], $0x2000, $0x38;
	[tilespmem:$0x1A400] =	vst v63  }
0x51: {  	s9 =	simm.s32 @!p0 $0x10  }
0x52: {  	_ =	swait.ge @!p0 [sflag:s9], $0x2000  }
0x53: {  	s8 =	sshra.s32 s7, $0x2;
	[sflag:s9] =	ssyncset.done @!p0 $0x0  }
0x54: {  	s11 =	sadd.s32 $0x280, s8;
	[sflag:s9] =	ssyncadd.s32 @!p0 $0xFFFFE000  }
0x55: {  	[tilespmem:s29], [sflag:$0x6] =	stream.indirect.gather [hbm4b:s4+s18], $0x40, s11, s18, $0xb8;
	[tilespmem:$0x1A400] =	vst v63  }
0x56: {  	_ =	swait.ge [sflag:s30], $0x2000  }
0x57: {  	[sflag:s30] =	ssyncset.done $0x0;
	s12 =	rddreg [dreg:$0x8]  }
0x58: {  	s10 =	simm.s32 $0x8400;
	[sflag:s30] =	ssyncadd.s32 $0xFFFFE000;
	s9 =	sadd.s32 s24, s12  }
0x59: {  	[hbm4b:s9+s3] =	stream.linear.scatter [tilespmem:s10], [sflag:$0xC], $0x2000, $0x38;
	[tilespmem:$0x1A400] =	vst v63  }
0x5a: {  	s9 =	simm.s32 @!p0 $0x11  }
0x5b: {  	_ =	swait.ge @!p0 [sflag:s9], $0x2000  }
0x5c: {  	[sflag:s9] =	ssyncset.done @!p0 $0x0  }
0x5d: {  	s10 =	sadd.s32 $0x300, s8;
	[sflag:s9] =	ssyncadd.s32 @!p0 $0xFFFFE000  }
0x5e: {  	[tilespmem:s31], [sflag:$0x7] =	stream.indirect.gather [hbm4b:s4+s18], $0x40, s10, s18, $0xb8;
	[tilespmem:$0x1A400] =	vst v63  }
0x5f: {  	_ =	swait.ge [sflag:s1], $0x2000  }
0x60: {  	[sflag:s1] =	ssyncset.done $0x0;
	s11 =	rddreg [dreg:$0x7]  }
0x61: {  	s12 =	simm.s32 $0xA400;
	[sflag:s1] =	ssyncadd.s32 $0xFFFFE000;
	s9 =	sadd.s32 s24, s11  }
0x62: {  	[hbm4b:s9+s3] =	stream.linear.scatter [tilespmem:s12], [sflag:$0xD], $0x2000, $0x38;
	[tilespmem:$0x1A400] =	vst v63  }
0x63: {  	s9 =	simm.s32 @!p0 $0x12  }
0x64: {  	_ =	swait.ge @!p0 [sflag:s9], $0x2000  }
0x65: {  	[sflag:s9] =	ssyncset.done @!p0 $0x0  }
0x66: {  	s10 =	sadd.s32 $0x380, s8;
	[sflag:s9] =	ssyncadd.s32 @!p0 $0xFFFFE000  }
0x67: {  	[tilespmem:s0], [sflag:$0x8] =	stream.indirect.gather [hbm4b:s4+s18], $0x40, s10, s18, $0xb8;
	[tilespmem:$0x1A400] =	vst v63  }
0x68: {  	_ =	swait.ge [sflag:s2], $0x2000  }
0x69: {  	[sflag:s2] =	ssyncset.done $0x0;
	s11 =	rddreg [dreg:$0x6]  }
0x6a: {  	s12 =	simm.s32 $0xC400;
	[sflag:s2] =	ssyncadd.s32 $0xFFFFE000;
	s9 =	sadd.s32 s24, s11  }
0x6b: {  	[hbm4b:s9+s3] =	stream.linear.scatter [tilespmem:s12], [sflag:$0xE], $0x2000, $0x38;
	[tilespmem:$0x1A400] =	vst v63  }
0x6c: {  	s9 =	simm.s32 @!p0 $0x13  }
0x6d: {  	_ =	swait.ge @!p0 [sflag:s9], $0x2000  }
0x6e: {  	[sflag:s9] =	ssyncset.done @!p0 $0x0  }
0x6f: {  	s11 =	sadd.s32 $0x400, s8;
	[sflag:s9] =	ssyncadd.s32 @!p0 $0xFFFFE000  }
0x70: {  	[tilespmem:s21], [sflag:$0x9] =	stream.indirect.gather [hbm4b:s4+s18], $0x40, s11, s18, $0xb8;
	[tilespmem:$0x1A400] =	vst v63  }
0x71: {  	_ =	swait.ge [sflag:s23], $0x2000  }
0x72: {  	[sflag:s23] =	ssyncset.done $0x0;
	s12 =	rddreg [dreg:$0x5]  }
0x73: {  	[sflag:s23] =	ssyncadd.s32 $0xFFFFE000;
	s9 =	sadd.s32 s24, s12  }
0x74: {  	[hbm4b:s9+s3] =	stream.linear.scatter [tilespmem:s26], [sflag:$0xF], $0x2000, $0x38;
	[tilespmem:$0x1A400] =	vst v63  }
0x75: {  	s9 =	simm.s32 @!p0 $0x14  }
0x76: {  	_ =	swait.ge @!p0 [sflag:s9], $0x2000  }
0x77: {  	[sflag:s9] =	ssyncset.done @!p0 $0x0  }
0x78: {  	s10 =	sadd.s32 $0x480, s8;
	[sflag:s9] =	ssyncadd.s32 @!p0 $0xFFFFE000  }
0x79: {  	[tilespmem:s25], [sflag:$0xA] =	stream.indirect.gather [hbm4b:s4+s18], $0x40, s10, s18, $0xb8;
	[tilespmem:$0x1A400] =	vst v63  }
0x7a: {  	_ =	swait.ge [sflag:s5], $0x2000  }
0x7b: {  	p0 =	seq.s32 s7, $0x17C00;
	[sflag:s5] =	ssyncset.done $0x0  }
0x7c: {  	s11 =	sadd.s32 s24, s16;
	s9 =	simm.s32 @!p0 $0xB;
	[sflag:s5] =	ssyncadd.s32 $0xFFFFE000  }
0x7d: {  	[hbm4b:s11+s3] =	stream.linear.scatter [tilespmem:s29], [sflag:$0x10], $0x2000, $0x38;
	[tilespmem:$0x1A400] =	vst v63  }
0x7e: {  	_ =	swait.ge @!p0 [sflag:s9], $0x2000  }
0x7f: {  	[sflag:s9] =	ssyncset.done @!p0 $0x0  }
0x80: {  	[sflag:s9] =	ssyncadd.s32 @!p0 $0xFFFFE000;
	s9 =	sshra.s32 @!p0 s7, $0x2  }
0x81: {  	s12 =	simm.s32 @!p0 $0x6400;
	s11 =	simm.s32 @!p0 $0x80;
	s10 =	sadd.s32 @!p0 $0x500, s9  }
0x82: {  	[tilespmem:s12], [sflag:$0x1] =	stream.indirect.gather @!p0 [hbm4b:s4+s11], $0x40, s10, s11, $0xb8;
	[tilespmem:$0x1A400] =	vst v63  }
0x83: {  	_ =	swait.ge [sflag:s6], $0x2000  }
0x84: {  	[sflag:s6] =	ssyncset.done $0x0  }
0x85: {  	s12 =	sadd.s32 s24, s15;
	s10 =	simm.s32 @!p0 $0xC;
	[sflag:s6] =	ssyncadd.s32 $0xFFFFE000  }
0x86: {  	[hbm4b:s12+s3] =	stream.linear.scatter [tilespmem:s31], [sflag:$0x11], $0x2000, $0x38;
	[tilespmem:$0x1A400] =	vst v63  }
0x87: {  	_ =	swait.ge @!p0 [sflag:s10], $0x2000  }
0x88: {  	[sflag:s10] =	ssyncset.done @!p0 $0x0  }
0x89: {  	s12 =	simm.s32 @!p0 $0x8400;
	[sflag:s10] =	ssyncadd.s32 @!p0 $0xFFFFE000;
	s10 =	sadd.s32 @!p0 $0x580, s9  }
0x8a: {  	[tilespmem:s12], [sflag:$0x2] =	stream.indirect.gather @!p0 [hbm4b:s4+s11], $0x40, s10, s11, $0xb8;
	[tilespmem:$0x1A400] =	vst v63  }
0x8b: {  	_ =	swait.ge [sflag:s17], $0x2000  }
0x8c: {  	[sflag:s17] =	ssyncset.done $0x0  }
0x8d: {  	s12 =	sadd.s32 s24, s14;
	s10 =	simm.s32 @!p0 $0xD;
	[sflag:s17] =	ssyncadd.s32 $0xFFFFE000  }
0x8e: {  	[hbm4b:s12+s3] =	stream.linear.scatter [tilespmem:s0], [sflag:$0x12], $0x2000, $0x38;
	[tilespmem:$0x1A400] =	vst v63  }
0x8f: {  	_ =	swait.ge @!p0 [sflag:s10], $0x2000  }
0x90: {  	[sflag:s10] =	ssyncset.done @!p0 $0x0  }
0x91: {  	s12 =	simm.s32 @!p0 $0xA400;
	[sflag:s10] =	ssyncadd.s32 @!p0 $0xFFFFE000;
	s10 =	sadd.s32 @!p0 $0x600, s9  }
0x92: {  	[tilespmem:s12], [sflag:$0x3] =	stream.indirect.gather @!p0 [hbm4b:s4+s11], $0x40, s10, s11, $0xb8;
	[tilespmem:$0x1A400] =	vst v63  }
0x93: {  	_ =	swait.ge [sflag:s19], $0x2000  }
0x94: {  	[sflag:s19] =	ssyncset.done $0x0  }
0x95: {  	s12 =	sadd.s32 s24, s13;
	s10 =	simm.s32 @!p0 $0xE;
	[sflag:s19] =	ssyncadd.s32 $0xFFFFE000  }
0x96: {  	[hbm4b:s12+s3] =	stream.linear.scatter [tilespmem:s21], [sflag:$0x13], $0x2000, $0x38;
	[tilespmem:$0x1A400] =	vst v63  }
0x97: {  	_ =	swait.ge @!p0 [sflag:s10], $0x2000  }
0x98: {  	[sflag:s10] =	ssyncset.done @!p0 $0x0  }
0x99: {  	s9 =	sadd.s32 @!p0 $0x680, s9;
	[sflag:s10] =	ssyncadd.s32 @!p0 $0xFFFFE000;
	s10 =	simm.s32 @!p0 $0xC400  }
0x9a: {  	[tilespmem:s10], [sflag:$0x4] =	stream.indirect.gather @!p0 [hbm4b:s4+s11], $0x40, s9, s11, $0xb8;
	[tilespmem:$0x1A400] =	vst v63  }
.Ltmp2:
0x9b: {  	_ = 	snop;
	(pc) =	sbr.rel @p0 .LBB2_4-.Ltmp2, $4  }
0x9c: {  	_ =	swait.ge [sflag:s20], $0x2000  }
0x9d: {  	[sflag:s20] =	ssyncset.done $0x0;
	s12 =	rddreg [dreg:$0xa]  }
0x9e: {  	[sflag:s20] =	ssyncadd.s32 $0xFFFFE000;
	s9 =	sadd.s32 s24, s12  }
0x9f: {  	[hbm4b:s9+s3] =	stream.linear.scatter [tilespmem:s25], [sflag:$0x14], $0x2000, $0x38;
	[tilespmem:$0x1A400] =	vst v63  }
.Ltmp3:
0xa0: {  	(pc) =	sbr.rel .LBB2_2-.Ltmp3, $4  }
0xa1: {  	_ =	swait.ge [sflag:s22], $0x2000  }
0xa2: {  	s8 =	sadd.s32 $0x700, s8;
	[sflag:s22] =	ssyncset.done $0x0  }
0xa3: {  	s7 =	sadd.s32 $0x1400, s7;
	s24 =	sadd.s32 $0x2800, s24;
	[sflag:s22] =	ssyncadd.s32 $0xFFFFE000  }
0xa4: {  	[tilespmem:s26], [sflag:$0x5] =	stream.indirect.gather [hbm4b:s4+s18], $0x40, s8, s18, $0xb8;
	[tilespmem:$0x1A400] =	vst v63  }
.LBB2_5:
0xa5: {  	_ =	sfence.sel $0x180000  }
0xa6: {  	[bflag:$0x0] =	sbarrier.arrive $0xFFFF  }
0xa7: {  	_ =	strace $0x90000047  }
0xa8: {  	s0 =	stileid.u32;
	[bflag:$0x2] =	sbarrier.arrive $0xFFFF  }
0xa9: {  	p0 =	sne.s32 s0, $0x0;
	s0 =	rddreg [dreg:$0x2]  }
0xaa: {  	s0 =	sadd.s32 @!p0 $0x100000, s0  }
0xab: {  	[sflag:s0] =	ssyncadd.tile.s32 @!p0 $0x1;
	_ =	shalt  }
.Lfunc_end2:
_tile_overlayer_lowered:
.L_overlay_start_2:
0xac: {  	(tag) =	ssettag $0x2  }
0xad: {  	s0 =	rddreg [dreg:$0x0];
	s2 =	stileid.u32  }
0xae: {  	s1 =	rddreg [dreg:$0x1];
	p0 =	sne.s32 s2, $0x0  }
0xaf: {  	s3 =	rddreg [dreg:$0x2];
	[bflag:$0x3] =	sbarrier.arrive $0xFFFF;
	s2 =	simm.s32 @!p0 $0x1C15  }
0xb0: {  	[timem:s3], [sflag:s2] =	dma.local @!p0 [hbm:s0], s1  }
0xb1: {  	s0 =	simm.s32 @!p0 $0x15  }
0xb2: {  	_ =	swait.ge @!p0 [sflag:s0], s1  }
0xb3: {  	s1 =	ssub.s32 @!p0 $0x0, s1;
	[sflag:s0] =	ssyncset.done @!p0 $0x0  }
0xb4: {  	[sflag:s0] =	ssyncadd.s32 @!p0 s1  }
0xb5: {  	[bflag:$0x3] =	sbarrier.arrive $0xFFFF  }
0xb6: {  	_ =	shalt  }

// kernel: sparse-core-data-format-call.cloned.1.call-start
scs
called_computation_lowered:
.L_overlay_start_0:
0x0: {  	s2 =	sld [smem:$0x3FD9]  }
0x1: {  	s3 =	sld [smem:$0x3FFE];
	_ =	sdelay $0x1  }
0x2: {  	s1 =	srdreg.scid  }
0x3: {  	s0 =	sand.u32 $0x1, s1  }
0x4: {  	s18 =	sshll.u32 s0, $0xA;
	s2 =	sadd.s32 s3, s2  }
0x5: {  	s2 =	sadd.s32 s2, s18  }
0x6: {  	[smem:$0x3FC6] =	sst s2  }
0x7: {  	_ = 	snop  }
0x8: {  	s2 =	sld [smem:$0x3FD0];
	(tm) =	ssettm $0x1  }
0x9: {  	s19 =	sld [smem:$0x3FFB];
	_ =	sdelay $0x3  }
0xa: {  	_ =	strace s19  }
0xb: {  	s3 =	sld [smem:$0x3FFC];
	_ =	sdelay $0x3  }
0xc: {  	_ =	strace s3  }
0xd: {  	s3 =	sld [smem:$0x3FFD];
	_ =	sdelay $0x3  }
0xe: {  	_ =	strace s3  }
0xf: {  	_ =	strace $0x8FFFFFFF  }
0x10: {  	s20 =	sld [smem:$0x3FDB];
	_ =	sdelay $0x1  }
0x11: {  	s4 =	simm.s32 $_scs_section_size  }
0x12: {  	s5 =	simm.s32 $_size__tile_overlayer_lowered;
	s6 =	simm.s32 $_tile_overlayer_lowered  }
0x13: {  	s23 =	simm.s32 $0x1BFF;
	s22 =	sshll.u32 s6, $0x1;
	s3 =	sadd.s32 s4, s20  }
0x14: {  	s7 =	simm.s32 $0x0;
	s21 =	sshll.u32 s5, $0x1;
	s5 =	sadd.s32 s22, s3  }
0x15: {  	[timem:s7], [sflag:s23] =	dma.local [hbm:s5], s21  }
0x16: {  	_ =	swait.ge [sflag:s23], s21  }
0x17: {  	s4 =	ssub.s32 $0x0, s21;
	[sflag:s23] =	ssyncset.done $0x0  }
0x18: {  	[sflag:s23] =	ssyncadd.s32 s4;
	_ =	sdelay $0x1  }
0x19: {  	s24 =	simm.s32 $0x1B8B  }
0x1a: {  	_ =	swait.ge [sflag:s24], $0x1  }
0x1b: {  	[sflag:s24] =	ssyncset.done $0x0  }
0x1c: {  	s26 =	simm.s32 $0x1B8E;
	s25 =	sld [smem:$0x3FFE];
	[sflag:s24] =	ssyncadd.s32 $0xFFFFFFFF  }
0x1d: {  	s27 =	simm.s32 $execute0_lowered;
	[smem:$0x3FD2] =	sst s26  }
0x1e: {  	s5 =	sshll.u32 s27, $0x1;
	_ =	strace $0x80000049;
	[dreg:$0x1] =	wrdreg $0xFFFFFFFF  }
0x1f: {  	s28 =	simm.s32 $_size_execute0_lowered;
	s3 =	sadd.s32 s3, s5;
	[dreg:$0x0] =	wrdreg $0x0  }
0x20: {  	s5 =	sshll.u32 s28, $0x1;
	[dreg:$0x2] =	wrdreg s3  }
0x21: {  	[dreg:$0x3] =	wrdreg s5  }
0x22: {  	[dreg:$0x4] =	wrdreg $0xC0  }
0x23: {  	_ =	task [dreg:s7], $0x5FFFF  }
0x24: {  	[dreg:$0x1] =	wrdreg $0xFFFFFFFF  }
0x25: {  	[dreg:$0x0] =	wrdreg $0x60  }
0x26: {  	[dreg:$0x2] =	wrdreg s25  }
0x27: {  	[dreg:$0x3] =	wrdreg s2  }
0x28: {  	[dreg:$0x4] =	wrdreg $0x9  }
0x29: {  	_ =	task.clear_ibuf [dreg:s7], $0x5FFFF;
	_ =	strace $0x90000049  }
0x2a: {  	s29 =	simm.s32 $0x9;
	_ =	strace $0x8000004B  }
0x2b: {  	_ =	swait.ge [sflag:s29], $0x1  }
0x2c: {  	[sflag:s29] =	ssyncadd.s32 $0xFFFFFFFF  }
0x2d: {  	_ =	strace $0x9000004B  }
0x2e: {  	_ =	sfence  }
0x2f: {  	s30 =	sld [smem:$0x0];
	_ =	sdelay $0x2  }
0x30: {  	s31 =	sshll.u32 s1, $0xD;
	s1 =	sshrl.u32 s1, $0x2  }
0x31: {  	s3 =	sand.u32 $0x4000, s31;
	s1 =	sadd.s32 s1, s30  }
0x32: {  	s0 =	sor.u32 s3, s0;
	s1 =	sshll.u32 s1, $0x11  }
0x33: {  	s0 =	sor.u32 s1, s0  }
0x34: {  	s0 =	sadd.s32 $0x8F2B, s0  }
0x35: {  	[sflag:s0] =	ssyncadd.remote.s32 $0x1  }
0x36: {  	_ =	sfence.sel $0xFFFF  }
0x37: {  	[dreg:$0x0] =	wrdreg $0xFFFFFFFF;
	(pc) =	sbr.abs _section_cstart, $3  }
0x38: {  	[dreg:$0x1] =	wrdreg $0xFFFFFFFF  }
0x39: {  	_ =	task.clear_ibuf [dreg:s7], $0x2FFFF;
	_ =	strace $0x9FFFFFFF  }
0x3a: {  	(tm) =	ssettm $0x7FFFFFFF  }
0x3b: {  	_ =	shalt  }
tec
execute0_lowered:
.L_overlay_start_1:
0x0: {  	(tag) =	ssettag $0x1  }
0x1: {  	s0 =	srdreg.scid  }
0x2: {  	s1 =	sshll.u32 s0, $0x4  }
0x3: {  	s0 =	stileid.u32;
	s1 =	sand.u32 $0x10, s1  }
0x4: {  	s1 =	sor.u32 s0, s1  }
0x5: {  	s6 =	rddreg [dreg:$0x0];
	s4 =	simm.s32 $0x1;
	s2 =	sshll.u32 s1, $0x7  }
0x6: {  	s7 =	simm.s32 $0x2;
	s12 =	simm.s32 $0x0;
	s1 =	ssub.s32 $0x4000, s2  }
0x7: {  	s8 =	simm.s32 $0x20000;
	s13 =	simm.s32 $0x0;
	s3 =	sand.u32 $0xF80, s1  }
0x8: {  	s9 =	simm.s32 $0x0;
	s5 =	sshrl.u32 s1, $0xC;
	p0 =	sne.s32 s3, $0x0  }
.Ltmp0:
0x9: {  	s1 =	rddreg [dreg:$0x2];
	s4 =	simm.s32 @!p0 $0x0;
	(pc) =	sbr.rel .LBB1_1-.Ltmp0, $4  }
0xa: {  	s11 =	simm.s32 $0x0;
	s3 =	rddreg [dreg:$0x1];
	s5 =	sadd.s32 s4, s5  }
0xb: {  	_ =	strace $0x8000004A;
	s4 =	simm.s32 $0x1;
	s5 =	smul.u32 $0x32, s5  }
0xc: {  	s6 =	sadd.s32 $0xA00, s6;
	s10 =	smov.u32 s2;
	[sflag:s4] =	ssyncpa.u1 $0x0  }
0xd: {  	p0 =	por $0x0, $0x0;
	[sflag:s7] =	ssyncpa.u1 $0x0;
	s7 =	sor.u32 $0x1, s5  }
.LBB1_4:
0xe: {  	s16 =	sshll.u32 s13, $0x3;
	s17 =	sand.u32 $0x78, s13  }
0xf: {  	s30 =	sand.u32 $0x1F800, s13;
	s12 =	sshll.u32 s12, $0x11;
	s16 =	sand.u32 $0x3C00, s16  }
0x10: {  	[tilespmem:s15+$0x810 ss:$0x81] =	vst.msk $0xffff, v2;
	s31 =	sand.u32 $0x7, s13;
	s16 =	sor.u32 s17, s16;
	s17 =	sadd.s32 s3, s30  }
0x11: {  	[tilespmem:s15+$0x1020 ss:$0x81] =	vst.msk $0xffff, v0;
	s13 =	sshll.u32 s31, $0x12;
	s12 =	sadd.s32 s12, s17;
	s16 =	sshrl.u32 s16, $0x3  }
0x12: {  	[tilespmem:s15+$0x0 ss:$0x81] =	vst.msk $0xffff, v1;
	s13 =	sor.u32 $0x400, s13;
	s12 =	sadd.s32 s16, s12  }
0x13: {  	[hbm4b:s12+s13] =	stream.strided.scatter [tilespmem:s14], [sflag:$0x2], $0x2000, s8, s13, $0x20;
	[tilespmem:$0x8080] =	vst v63  }
.LBB1_5:
0x14: {  	s14 =	sadd.s32 $0x1, s9  }
0x15: {  	s12 =	sadd.s32 $0x1000, s10;
	s16 =	smov.u32 s10;
	p2 =	sgt.s32 s14, $0x31  }
0x16: {  	s16 =	smov.u32 @p2 s12  }
0x17: {  	s14 =	simm.s32 @p2 $0x0;
	p2 =	sgt.s32 s16, $0x3FFF  }
0x18: {  	s16 =	smov.u32 @p2 s2;
	p2 =	sne.s32 s11, s7  }
.Ltmp1:
0x19: {  	p1 =	slt.u32 s11, $0x2;
	(pc) =	sbr.rel @!p2 .LBB1_6-.Ltmp1, $4  }
0x1a: {  	s15 =	simm.s32 @!p1 $0x2  }
0x1b: {  	s13 =	smov.u32 s10;
	p0 =	por !p0, !p0;
	_ =	swait.ge @!p1 [sflag:s15], $0x2000  }
0x1c: {  	s12 =	smov.u32 s9;
	[sflag:s15] =	ssyncset.done @!p1 $0x0;
	s9 =	smov.u32 s14  }
0x1d: {  	s11 =	sadd.s32 $0x1, s11;
	[sflag:s15] =	ssyncadd.s32 @!p1 $0xFFFFE000;
	s10 =	smov.u32 s16  }
.LBB1_1:
0x1e: {  	p1 =	sge.u32 s11, s5  }
0x1f: {  	s14 =	sand.u32 @!p1 $0x1FFFFFF, s9  }
0x20: {  	s15 =	smulhi.u32 @!p1 $0x4924925, s14;
	_ =	sdelay $0x1  }
0x21: {  	s15 =	smul.u32 @!p1 $0x38, s15  }
0x22: {  	s16 =	sxor.u32 @!p1 $0xFFFFFFFF, s11;
	s17 =	smul.u32 @!p1 $0x380, s10  }
0x23: {  	s31 =	sadd.s32 $0xFFFFFFFF, s11;
	s16 =	sshll.u32 @!p1 s16, $0xD;
	s14 =	ssub.s32 @!p1 s14, s15  }
0x24: {  	s15 =	sand.u32 @!p1 $0x2000, s16;
	s16 =	sadd.s32 @!p1 s6, s17;
	s14 =	sshll.u32 @!p1 s14, $0x4  }
0x25: {  	s17 =	simm.s32 @!p1 $0x1C00;
	s14 =	sadd.s32 @!p1 s14, s16;
	s16 =	simm.s32 @!p1 $0x40  }
0x26: {  	[tilespmem:s15], [sflag:$0x1] =	stream.strided.gather @!p1 [hbm4b:s14+s16], $0x2000, s17, s16, $0x38;
	[tilespmem:$0x8080] =	vst v63  }
0x27: {  	p1 =	sge.u32 s31, s5  }
.Ltmp2:
0x28: {  	_ = 	snop;
	(pc) =	sbr.rel @p1 .LBB1_5-.Ltmp2, $1  }
0x29: {  	_ =	sdelay $0x3  }
0x2a: {  	s14 =	simm.s32 $0x1  }
0x2b: {  	_ =	swait.ge [sflag:s4], $0x2000;
	s14 =	simm.s32 @!p0 $0x0  }
0x2c: {  	[sflag:s4] =	ssyncset.done $0x0;
	s15 =	sshll.u32 s14, $0xD  }
0x2d: {  	[sflag:s4] =	ssyncadd.s32 $0xFFFFE000;
	s18 =	sor.u32 $0x20, s15  }
0x2e: {  	s14 =	smul.u32 $0x8100, s14;
	v3 =	vld [tilespmem:s18+$0x10]  }
0x2f: {  	s30 =	sand.u32 $0x1, s11;
	v2 =	vld [tilespmem:s18+$0xFFFFFFF0]  }
0x30: {  	s15 =	smul.u32 $0x8100, s30;
	s14 =	sshrl.u32 s14, $0x2;
	v0 =	vld [tilespmem:s18+$0x0]  }
0x31: {  	v1 =	vld [tilespmem:s18+$0xFFFFFFE0];
	s16 =	sor.u32 $0x4000, s14  }
0x32: {  	s31 =	sshrl.u32 s15, $0x2;
	s15 =	sadd.s32 $0x0, s16  }
0x33: {  	s17 =	simm.s32 $0x4;
	s18 =	sadd.s32 $0x40, s18;
	s14 =	sor.u32 $0x4000, s31;
	[tilespmem:s15+$0x1830 ss:$0x81] =	vst.msk $0xffff, v3  }
.LBB1_3:
0x34: {  	v3 =	vld [tilespmem:s18+$0x10];
	p1 =	sne.s32 s17, $0x1FC;
	[tilespmem:s15+$0x810 ss:$0x81] =	vst.msk $0xffff, v2;
	s19 =	smov.u32 s17;
	s17 =	sadd.s32 $0x4, s17  }
.Ltmp3:
0x35: {  	v2 =	vld [tilespmem:s18+$0xFFFFFFF0];
	[tilespmem:s15+$0x1020 ss:$0x81] =	vst.msk $0xffff, v0;
	(pc) =	sbr.rel @p1 .LBB1_3-.Ltmp3, $4  }
0x36: {  	v0 =	vld [tilespmem:s18+$0x0];
	[tilespmem:s15+$0x0 ss:$0x81] =	vst.msk $0xffff, v1  }
0x37: {  	s15 =	sshra.s32 s19, $0x2;
	v1 =	vld [tilespmem:s18+$0xFFFFFFE0]  }
0x38: {  	s15 =	sadd.s32 s15, s16  }
0x39: {  	s18 =	sadd.s32 $0x40, s18;
	[tilespmem:s15+$0x1830 ss:$0x81] =	vst.msk $0xffff, v3  }
.Ltmp4:
0x3a: {  	_ = 	snop;
	(pc) =	sbr.rel .LBB1_4-.Ltmp4, $1  }
0x3b: {  	_ =	sdelay $0x3  }
.LBB1_6:
0x3c: {  	_ =	sfence.sel $0x180000  }
0x3d: {  	s2 =	simm.s32 $0x1;
	[bflag:$0x0] =	sbarrier.arrive $0xFFFF  }
0x3e: {  	s31 =	simm.s32 $0x2;
	[sflag:s2] =	ssyncpa.u1 $0x1  }
0x3f: {  	[sflag:s31] =	ssyncpa.u1 $0x1  }
0x40: {  	p0 =	sne.s32 s0, $0x0;
	_ =	strace $0x9000004A  }
0x41: {  	s0 =	sadd.s32 @!p0 $0x100000, s1;
	[bflag:$0x2] =	sbarrier.arrive $0xFFFF  }
0x42: {  	[sflag:s0] =	ssyncadd.tile.s32 @!p0 $0x1;
	_ =	shalt  }
.Lfunc_end1:
_tile_overlayer_lowered:
.L_overlay_start_2:
0x43: {  	(tag) =	ssettag $0x2  }
0x44: {  	s0 =	rddreg [dreg:$0x0];
	s2 =	stileid.u32  }
0x45: {  	s1 =	rddreg [dreg:$0x1];
	p0 =	sne.s32 s2, $0x0  }
0x46: {  	s3 =	rddreg [dreg:$0x2];
	[bflag:$0x3] =	sbarrier.arrive $0xFFFF;
	s2 =	simm.s32 @!p0 $0x1C01  }
0x47: {  	[timem:s3], [sflag:s2] =	dma.local @!p0 [hbm:s0], s1  }
0x48: {  	s0 =	simm.s32 @!p0 $0x1  }
0x49: {  	_ =	swait.ge @!p0 [sflag:s0], s1  }
0x4a: {  	s1 =	ssub.s32 @!p0 $0x0, s1;
	[sflag:s0] =	ssyncset.done @!p0 $0x0  }
0x4b: {  	[sflag:s0] =	ssyncadd.s32 @!p0 s1  }
0x4c: {  	[bflag:$0x3] =	sbarrier.arrive $0xFFFF  }
0x4d: {  	_ =	shalt  }

</sc_bundles>
